<compile_context>
chip_gen: v7x
topology: tpu7x:2x2x1
jax: 0.10.2.dev20260603
libtpu: 0.0.44.dev20260713+nightly
codegen_flags: <defaults>
</compile_context>

<pallas_src>
import jax
import jax.numpy as jnp
from jax import lax
from jax.experimental import pallas as pl
from jax.experimental.pallas import tpu as pltpu
from jax.experimental.pallas import tpu_sc as plsc

B = 32
NCH = 3
H = 512
W = 512
NPIX = H * W
NBINS = 64
LANES = 16
NC, NS = 2, 16
UNROLL = 4
NPIXW = NPIX // 2
CHUNK = 8192
NSTEPS = NPIXW // CHUNK
NVREG = CHUNK // LANES
HSIZE = NBINS * LANES
LAMBDA_CC = 10.0
EPS = 1e-06


KSPLIT = 1
HS = H // KSPLIT


def _tc_bin_body(w_ref, x_ref, y_ref, ix_ref, iy_ref, s_ref):
    k = pl.program_id(1)
    w0 = w_ref[0]
    w1 = w_ref[1]
    w2 = w_ref[2]
    w3 = w_ref[3]
    xr = x_ref[0, 0]
    xg = x_ref[0, 1]
    xb = x_ref[0, 2]
    yr = y_ref[0, 0]
    yg = y_ref[0, 1]
    yb = y_ref[0, 2]
    cx = xr * w0 + xg * w1 + xb * w2 + w3
    cy = yr * w0 + yg * w1 + yb * w2 + w3
    ix = jnp.minimum(jnp.maximum(cx, 0.0), 63.0).astype(jnp.int32)
    iy = jnp.minimum(jnp.maximum(cy, 0.0), 63.0).astype(jnp.int32)
    ix_ref[0] = ix[: HS // 2] | (ix[HS // 2:] << 16)
    iy_ref[0] = iy[: HS // 2] | (iy[HS // 2:] << 16)
    zz = jnp.zeros((1, 1), jnp.float32)
    part = jnp.concatenate(
        [jnp.sum(p, keepdims=True) for p in (xr, xg, xb, yr, yg, yb)]
        + [zz, zz], axis=1).reshape(1, 1, 8)

    @pl.when(k == 0)
    def _():
        s_ref[...] = part

    @pl.when(k > 0)
    def _():
        s_ref[...] = s_ref[...] + part


def _tc_bin(x, y, wq):
    return pl.pallas_call(
        _tc_bin_body,
        grid=(B, KSPLIT),
        in_specs=[
            pl.BlockSpec(memory_space=pltpu.SMEM),
            pl.BlockSpec((1, NCH, HS, W), lambda b, k: (b, 0, k, 0)),
            pl.BlockSpec((1, NCH, HS, W), lambda b, k: (b, 0, k, 0)),
        ],
        out_specs=[
            pl.BlockSpec((1, HS // 2, W), lambda b, k: (b, k, 0)),
            pl.BlockSpec((1, HS // 2, W), lambda b, k: (b, k, 0)),
            pl.BlockSpec((1, 1, 8), lambda b, k: (b, 0, 0)),
        ],
        out_shape=[
            jax.ShapeDtypeStruct((B, H // 2, W), jnp.int32),
            jax.ShapeDtypeStruct((B, H // 2, W), jnp.int32),
            jax.ShapeDtypeStruct((B, 1, 8), jnp.float32),
        ],
    )(wq, x, y)


def _sc_hist_body(x_hbm, y_hbm, hx_out, hy_out, xbuf, ybuf, hx, hy,
                  sem0, sem1):
    img = lax.axis_index("c") * NS + lax.axis_index("s")
    sems = (sem0, sem1)
    li = lax.iota(jnp.int32, LANES)
    ones = jnp.full((LANES,), 1.0, jnp.float32)
    zeros = jnp.zeros((LANES,), jnp.float32)

    for i in range(NBINS):
        hx[pl.ds(i * LANES, LANES)] = zeros
        hy[pl.ds(i * LANES, LANES)] = zeros

    xb32 = xbuf
    yb32 = ybuf

    def start(s, b):
        pltpu.async_copy(
            x_hbm.at[pl.ds(img * NPIXW + s * CHUNK, CHUNK)],
            xbuf.at[pl.ds(b * CHUNK, CHUNK)], sems[b])
        pltpu.async_copy(
            y_hbm.at[pl.ds(img * NPIXW + s * CHUNK, CHUNK)],
            ybuf.at[pl.ds(b * CHUNK, CHUNK)], sems[b])

    def wait(b):
        pltpu.make_async_copy(
            x_hbm.at[pl.ds(0, CHUNK)],
            xbuf.at[pl.ds(b * CHUNK, CHUNK)], sems[b]).wait()
        pltpu.make_async_copy(
            y_hbm.at[pl.ds(0, CHUNK)],
            ybuf.at[pl.ds(b * CHUNK, CHUNK)], sems[b]).wait()

    def scatter2(h, w):
        lo = ((w & 63) << 4) | li
        hi = ((w >> 16) & 63) << 4 | li
        plsc.addupdate_scatter(h, [lo], ones)
        plsc.addupdate_scatter(h, [hi], ones)

    def chunk_compute(b):
        base = b * CHUNK

        def jbody(j, carry):
            o = j * LANES
            scatter2(hx, xb32[pl.ds(base + o, LANES)])
            scatter2(hy, yb32[pl.ds(base + o, LANES)])
            return carry

        return plsc.parallel_loop(0, NVREG, 1, unroll=UNROLL,
                                  carry=jnp.int32(0))(jbody)

    start(0, 0)

    def outer(i, carry):
        s0 = 2 * i
        start(s0 + 1, 1)
        wait(0)
        chunk_compute(0)

        @pl.when(i < NSTEPS // 2 - 1)
        def _():
            start(s0 + 2, 0)

        wait(1)
        chunk_compute(1)
        return carry

    lax.fori_loop(0, NSTEPS // 2, outer, jnp.int32(0))

    pltpu.sync_copy(hx, hx_out.at[pl.ds(img * HSIZE, HSIZE)])
    pltpu.sync_copy(hy, hy_out.at[pl.ds(img * HSIZE, HSIZE)])


def _sc_hist(ixf, iyf):
    mesh = plsc.VectorSubcoreMesh(core_axis_name="c", subcore_axis_name="s",
                                  num_cores=NC, num_subcores=NS)
    f = pl.kernel(
        _sc_hist_body,
        out_type=(
            jax.ShapeDtypeStruct((B * HSIZE,), jnp.float32),
            jax.ShapeDtypeStruct((B * HSIZE,), jnp.float32),
        ),
        mesh=mesh,
        scratch_types=[
            pltpu.VMEM((2 * CHUNK,), jnp.int32),
            pltpu.VMEM((2 * CHUNK,), jnp.int32),
            pltpu.VMEM((HSIZE,), jnp.float32),
            pltpu.VMEM((HSIZE,), jnp.float32),
            pltpu.SemaphoreType.DMA,
            pltpu.SemaphoreType.DMA,
        ],
        compiler_params=pltpu.CompilerParams(needs_layout_passes=False),
        name="cc_hist_sc",
    )
    return f(ixf, iyf)


def _tc_final_body(hx_ref, hy_ref, s_ref, out_ref):
    hx = 2.0 * jnp.sum(hx_ref[...], axis=2)
    hy = 2.0 * jnp.sum(hy_ref[...], axis=2)
    s = s_ref[...]
    m01 = (s * (1.0 / NPIX) + 1.0) * 0.5
    xm = m01[:, 0:3]
    ym = m01[:, 3:6]
    rw = xm[:, 0:1]
    gw = xm[:, 1:2]
    bw = xm[:, 2:3]
    grey_world = jnp.mean(jnp.abs(rw - gw) + jnp.abs(gw - bw) + jnp.abs(bw - rw))
    x_ratio = xm / (jnp.sum(xm, axis=1, keepdims=True) + EPS)
    y_ratio = ym / (jnp.sum(ym, axis=1, keepdims=True) + EPS)
    ratio_loss = jnp.mean(jnp.abs(x_ratio - y_ratio))
    log_x = jnp.log(hx)
    kl_pt = jnp.where(hy > 0,
                      hy * (jnp.log(jnp.where(hy > 0, hy, 1.0)) - log_x), 0.0)
    kl_div = jnp.sum(kl_pt) / B
    out_ref[...] = jnp.full((1, 1), LAMBDA_CC * (grey_world + ratio_loss + kl_div),
                            jnp.float32)


def _tc_final(hx, hy, s):
    return pl.pallas_call(
        _tc_final_body,
        out_shape=jax.ShapeDtypeStruct((1, 1), jnp.float32),
    )(hx, hy, s)


def kernel(x, y, lum_w, bin_edges):
    lw = lum_w.reshape(NCH)
    nb = bin_edges.shape[0] - 1
    scale = nb / (bin_edges[-1] - bin_edges[0])
    wrows = 0.5 * scale * lw
    woff = scale * (0.5 * jnp.sum(lw) - bin_edges[0])
    wq = jnp.concatenate([wrows, woff[None]], axis=0)
    ix3, iy3, sums = _tc_bin(x, y, wq)
    hxf, hyf = _sc_hist(ix3.reshape(B * NPIXW), iy3.reshape(B * NPIXW))
    out = _tc_final(hxf.reshape(B, NBINS, LANES),
                    hyf.reshape(B, NBINS, LANES), sums.reshape(B, 8))
    return out.reshape(())

# --- scband reference (transcript-rebuilt; emitter-appended) ---
"""Pipeline reference for scband-color-constancy-loss-44624710205882 (READ-ONLY COPY).

The authoritative reference and input builder live on the scoring server;
editing this copy changes nothing except your own understanding.
"""

import jax, jax.numpy as jnp
import numpy as np

LAMBDA_CC = 10.0
BINS = 64
EPS = 1e-06
USE_RATIO = True


def setup_inputs(seed: int = 0) -> dict:
    key = jax.random.key(seed)
    k1, k2 = jax.random.split(key)
    x = jax.random.normal(k1, (32, 3, 512, 512), dtype=jnp.float32)
    y = jax.random.normal(k2, (32, 3, 512, 512), dtype=jnp.float32)
    lum_w = jnp.array([0.299, 0.587, 0.114], dtype=jnp.float32).reshape(1, 3, 1, 1)
    bin_edges = jnp.linspace(0.0, 1.0, BINS + 1, dtype=jnp.float32)
    return {"x": x, "y": y, "lum_w": lum_w, "bin_edges": bin_edges}


def reference(x, y, lum_w, bin_edges):
    B = x.shape[0]
    y = jax.lax.stop_gradient(y)  # y.detach()
    x01 = (x + 1) * 0.5
    y01 = (y + 1) * 0.5
    x_mean = jnp.mean(x01, axis=(2, 3), keepdims=True)  # [B,3,1,1]
    y_mean = jnp.mean(y01, axis=(2, 3), keepdims=True)
    rw, gw, bw = x_mean[:, 0], x_mean[:, 1], x_mean[:, 2]
    grey_world = jnp.mean(jnp.abs(rw - gw) + jnp.abs(gw - bw) + jnp.abs(bw - rw))
    if USE_RATIO:
        x_ratio = x_mean / (jnp.sum(x_mean, axis=1, keepdims=True) + EPS)
        y_ratio = y_mean / (jnp.sum(y_mean, axis=1, keepdims=True) + EPS)
        ratio_loss = jnp.mean(jnp.abs(x_ratio - y_ratio))
    else:
        ratio_loss = jnp.zeros(())
    color_term = grey_world + ratio_loss
    x_gray = jnp.sum(x01 * lum_w, axis=1)  # [B,H,W]
    y_gray = jnp.sum(y01 * lum_w, axis=1)
    x_flat = x_gray.reshape(B, -1)
    y_flat = y_gray.reshape(B, -1)
    # torch.bucketize(v, edges, right=False) == searchsorted(edges, v, side='left')
    x_idx = jnp.searchsorted(bin_edges, x_flat, side='left') - 1
    y_idx = jnp.searchsorted(bin_edges, y_flat, side='left') - 1
    x_idx = jnp.clip(x_idx, 0, BINS - 1)
    y_idx = jnp.clip(y_idx, 0, BINS - 1)
    rows = jnp.arange(B)[:, None]
    ones_x = jnp.ones_like(x_flat)
    ones_y = jnp.ones_like(y_flat)
    x_hist = jnp.zeros((B, BINS), dtype=x.dtype).at[rows, x_idx].add(ones_x)
    y_hist = jnp.zeros((B, BINS), dtype=x.dtype).at[rows, y_idx].add(ones_y)
    # NOTE: original module scatter_adds twice (counts doubled) - kept faithful
    x_hist = x_hist.at[rows, x_idx].add(ones_x)
    y_hist = y_hist.at[rows, y_idx].add(ones_y)
    # F.kl_div(x_hist.log(), y_hist, reduction='batchmean'):
    # pointwise target*(log(target)-input), 0 where target<=0, summed / B
    log_x = jnp.log(x_hist)
    kl_pt = jnp.where(y_hist > 0, y_hist * (jnp.log(jnp.where(y_hist > 0, y_hist, 1.0)) - log_x), 0.0)
    kl_div = jnp.sum(kl_pt) / B
    return LAMBDA_CC * (color_term + kl_div)

if __name__ == "__main__":
    import jax
    _d = setup_inputs()
    print(jax.jit(kernel)(*tuple(_d.values())))

</pallas_src>

<mosaic_0001>
#map = affine_map<(d0, d1) -> (0)>
module attributes {stable_mosaic.version = 14 : i64} {
  func.func @cc_hist_sc(%arg0: i32, %arg1: i32, %arg2: memref<4194304xi32, #tpu.memory_space<hbm>>, %arg3: memref<4194304xi32, #tpu.memory_space<hbm>>, %arg4: memref<32768xf32, #tpu.memory_space<hbm>>, %arg5: memref<32768xf32, #tpu.memory_space<hbm>>, %arg6: memref<16384xi32, #tpu.memory_space<vmem>>, %arg7: memref<16384xi32, #tpu.memory_space<vmem>>, %arg8: memref<1024xf32, #tpu.memory_space<vmem>>, %arg9: memref<1024xf32, #tpu.memory_space<vmem>>, %arg10: memref<!tpu.dma_semaphore, #tpu.memory_space<semaphore_mem>>, %arg11: memref<!tpu.dma_semaphore, #tpu.memory_space<semaphore_mem>>) attributes {dimension_semantics = [#tpu.dimension_semantics<core_parallel>, #tpu.dimension_semantics<subcore_parallel>], iteration_bounds = array<i64: 2, 16>, scalar_prefetch = 0 : i64, scratch_operands = 6 : i64, tpu.core_type = #tpu.core_type<sc_vector_subcore>, window_params = [{transform_indices = #map}, {transform_indices = #map}, {transform_indices = #map}, {transform_indices = #map}]} {
    %mul3A = arith.constant 16 : i32
    %mul3A_0 = arith.muli %arg0, %mul3A : i32
    %add3A = arith.addi %mul3A_0, %arg1 : i32
    %iota3A = tpu.iota {dimensions = array<i32: 0>} : vector<16xi32>
    %broadcast_in_dim3A = arith.constant 1.000000e+00 : f32
    %broadcast_in_dim3A_1 = vector.broadcast %broadcast_in_dim3A : f32 to vector<16xf32>
    %broadcast_in_dim3A_2 = arith.constant 0.000000e+00 : f32
    %broadcast_in_dim3A_3 = vector.broadcast %broadcast_in_dim3A_2 : f32 to vector<16xf32>
    %swap3A = arith.constant 0 : index
    %swap3A_4 = tpu.vector_load %arg8[%swap3A] {strides = array<i32>} : memref<1024xf32, #tpu.memory_space<vmem>>, vector<16xf32>,
    tpu.vector_store %arg8[%swap3A], %broadcast_in_dim3A_3 {strides = array<i32>} : memref<1024xf32, #tpu.memory_space<vmem>>, vector<16xf32>,
    %swap3A_5 = arith.constant 0 : index
    %swap3A_6 = tpu.vector_load %arg9[%swap3A_5] {strides = array<i32>} : memref<1024xf32, #tpu.memory_space<vmem>>, vector<16xf32>,
    tpu.vector_store %arg9[%swap3A_5], %broadcast_in_dim3A_3 {strides = array<i32>} : memref<1024xf32, #tpu.memory_space<vmem>>, vector<16xf32>,
    %swap3A_7 = arith.constant 16 : index
    %swap3A_8 = tpu.vector_load %arg8[%swap3A_7] {strides = array<i32>} : memref<1024xf32, #tpu.memory_space<vmem>>, vector<16xf32>,
    tpu.vector_store %arg8[%swap3A_7], %broadcast_in_dim3A_3 {strides = array<i32>} : memref<1024xf32, #tpu.memory_space<vmem>>, vector<16xf32>,
    %swap3A_9 = arith.constant 16 : index
    %swap3A_10 = tpu.vector_load %arg9[%swap3A_9] {strides = array<i32>} : memref<1024xf32, #tpu.memory_space<vmem>>, vector<16xf32>,
    tpu.vector_store %arg9[%swap3A_9], %broadcast_in_dim3A_3 {strides = array<i32>} : memref<1024xf32, #tpu.memory_space<vmem>>, vector<16xf32>,
    %swap3A_11 = arith.constant 32 : index
    %swap3A_12 = tpu.vector_load %arg8[%swap3A_11] {strides = array<i32>} : memref<1024xf32, #tpu.memory_space<vmem>>, vector<16xf32>,
    tpu.vector_store %arg8[%swap3A_11], %broadcast_in_dim3A_3 {strides = array<i32>} : memref<1024xf32, #tpu.memory_space<vmem>>, vector<16xf32>,
    %swap3A_13 = arith.constant 32 : index
    %swap3A_14 = tpu.vector_load %arg9[%swap3A_13] {strides = array<i32>} : memref<1024xf32, #tpu.memory_space<vmem>>, vector<16xf32>,
    tpu.vector_store %arg9[%swap3A_13], %broadcast_in_dim3A_3 {strides = array<i32>} : memref<1024xf32, #tpu.memory_space<vmem>>, vector<16xf32>,
    %swap3A_15 = arith.constant 48 : index
    %swap3A_16 = tpu.vector_load %arg8[%swap3A_15] {strides = array<i32>} : memref<1024xf32, #tpu.memory_space<vmem>>, vector<16xf32>,
    tpu.vector_store %arg8[%swap3A_15], %broadcast_in_dim3A_3 {strides = array<i32>} : memref<1024xf32, #tpu.memory_space<vmem>>, vector<16xf32>,
    %swap3A_17 = arith.constant 48 : index
    %swap3A_18 = tpu.vector_load %arg9[%swap3A_17] {strides = array<i32>} : memref<1024xf32, #tpu.memory_space<vmem>>, vector<16xf32>,
    tpu.vector_store %arg9[%swap3A_17], %broadcast_in_dim3A_3 {strides = array<i32>} : memref<1024xf32, #tpu.memory_space<vmem>>, vector<16xf32>,
    %swap3A_19 = arith.constant 64 : index
    %swap3A_20 = tpu.vector_load %arg8[%swap3A_19] {strides = array<i32>} : memref<1024xf32, #tpu.memory_space<vmem>>, vector<16xf32>,
    tpu.vector_store %arg8[%swap3A_19], %broadcast_in_dim3A_3 {strides = array<i32>} : memref<1024xf32, #tpu.memory_space<vmem>>, vector<16xf32>,
    %swap3A_21 = arith.constant 64 : index
    %swap3A_22 = tpu.vector_load %arg9[%swap3A_21] {strides = array<i32>} : memref<1024xf32, #tpu.memory_space<vmem>>, vector<16xf32>,
    tpu.vector_store %arg9[%swap3A_21], %broadcast_in_dim3A_3 {strides = array<i32>} : memref<1024xf32, #tpu.memory_space<vmem>>, vector<16xf32>,
    %swap3A_23 = arith.constant 80 : index
    %swap3A_24 = tpu.vector_load %arg8[%swap3A_23] {strides = array<i32>} : memref<1024xf32, #tpu.memory_space<vmem>>, vector<16xf32>,
    tpu.vector_store %arg8[%swap3A_23], %broadcast_in_dim3A_3 {strides = array<i32>} : memref<1024xf32, #tpu.memory_space<vmem>>, vector<16xf32>,
    %swap3A_25 = arith.constant 80 : index
    %swap3A_26 = tpu.vector_load %arg9[%swap3A_25] {strides = array<i32>} : memref<1024xf32, #tpu.memory_space<vmem>>, vector<16xf32>,
    tpu.vector_store %arg9[%swap3A_25], %broadcast_in_dim3A_3 {strides = array<i32>} : memref<1024xf32, #tpu.memory_space<vmem>>, vector<16xf32>,
    %swap3A_27 = arith.constant 96 : index
    %swap3A_28 = tpu.vector_load %arg8[%swap3A_27] {strides = array<i32>} : memref<1024xf32, #tpu.memory_space<vmem>>, vector<16xf32>,
    tpu.vector_store %arg8[%swap3A_27], %broadcast_in_dim3A_3 {strides = array<i32>} : memref<1024xf32, #tpu.memory_space<vmem>>, vector<16xf32>,
    %swap3A_29 = arith.constant 96 : index
    %swap3A_30 = tpu.vector_load %arg9[%swap3A_29] {strides = array<i32>} : memref<1024xf32, #tpu.memory_space<vmem>>, vector<16xf32>,
    tpu.vector_store %arg9[%swap3A_29], %broadcast_in_dim3A_3 {strides = array<i32>} : memref<1024xf32, #tpu.memory_space<vmem>>, vector<16xf32>,
    %swap3A_31 = arith.constant 112 : index
    %swap3A_32 = tpu.vector_load %arg8[%swap3A_31] {strides = array<i32>} : memref<1024xf32, #tpu.memory_space<vmem>>, vector<16xf32>,
    tpu.vector_store %arg8[%swap3A_31], %broadcast_in_dim3A_3 {strides = array<i32>} : memref<1024xf32, #tpu.memory_space<vmem>>, vector<16xf32>,
    %swap3A_33 = arith.constant 112 : index
    %swap3A_34 = tpu.vector_load %arg9[%swap3A_33] {strides = array<i32>} : memref<1024xf32, #tpu.memory_space<vmem>>, vector<16xf32>,
    tpu.vector_store %arg9[%swap3A_33], %broadcast_in_dim3A_3 {strides = array<i32>} : memref<1024xf32, #tpu.memory_space<vmem>>, vector<16xf32>,
    %swap3A_35 = arith.constant 128 : index
    %swap3A_36 = tpu.vector_load %arg8[%swap3A_35] {strides = array<i32>} : memref<1024xf32, #tpu.memory_space<vmem>>, vector<16xf32>,
    tpu.vector_store %arg8[%swap3A_35], %broadcast_in_dim3A_3 {strides = array<i32>} : memref<1024xf32, #tpu.memory_space<vmem>>, vector<16xf32>,
    %swap3A_37 = arith.constant 128 : index
    %swap3A_38 = tpu.vector_load %arg9[%swap3A_37] {strides = array<i32>} : memref<1024xf32, #tpu.memory_space<vmem>>, vector<16xf32>,
    tpu.vector_store %arg9[%swap3A_37], %broadcast_in_dim3A_3 {strides = array<i32>} : memref<1024xf32, #tpu.memory_space<vmem>>, vector<16xf32>,
    %swap3A_39 = arith.constant 144 : index
    %swap3A_40 = tpu.vector_load %arg8[%swap3A_39] {strides = array<i32>} : memref<1024xf32, #tpu.memory_space<vmem>>, vector<16xf32>,
    tpu.vector_store %arg8[%swap3A_39], %broadcast_in_dim3A_3 {strides = array<i32>} : memref<1024xf32, #tpu.memory_space<vmem>>, vector<16xf32>,
    %swap3A_41 = arith.constant 144 : index
    %swap3A_42 = tpu.vector_load %arg9[%swap3A_41] {strides = array<i32>} : memref<1024xf32, #tpu.memory_space<vmem>>, vector<16xf32>,
    tpu.vector_store %arg9[%swap3A_41], %broadcast_in_dim3A_3 {strides = array<i32>} : memref<1024xf32, #tpu.memory_space<vmem>>, vector<16xf32>,
    %swap3A_43 = arith.constant 160 : index
    %swap3A_44 = tpu.vector_load %arg8[%swap3A_43] {strides = array<i32>} : memref<1024xf32, #tpu.memory_space<vmem>>, vector<16xf32>,
    tpu.vector_store %arg8[%swap3A_43], %broadcast_in_dim3A_3 {strides = array<i32>} : memref<1024xf32, #tpu.memory_space<vmem>>, vector<16xf32>,
    %swap3A_45 = arith.constant 160 : index
    %swap3A_46 = tpu.vector_load %arg9[%swap3A_45] {strides = array<i32>} : memref<1024xf32, #tpu.memory_space<vmem>>, vector<16xf32>,
    tpu.vector_store %arg9[%swap3A_45], %broadcast_in_dim3A_3 {strides = array<i32>} : memref<1024xf32, #tpu.memory_space<vmem>>, vector<16xf32>,
    %swap3A_47 = arith.constant 176 : index
    %swap3A_48 = tpu.vector_load %arg8[%swap3A_47] {strides = array<i32>} : memref<1024xf32, #tpu.memory_space<vmem>>, vector<16xf32>,
    tpu.vector_store %arg8[%swap3A_47], %broadcast_in_dim3A_3 {strides = array<i32>} : memref<1024xf32, #tpu.memory_space<vmem>>, vector<16xf32>,
    %swap3A_49 = arith.constant 176 : index
    %swap3A_50 = tpu.vector_load %arg9[%swap3A_49] {strides = array<i32>} : memref<1024xf32, #tpu.memory_space<vmem>>, vector<16xf32>,
    tpu.vector_store %arg9[%swap3A_49], %broadcast_in_dim3A_3 {strides = array<i32>} : memref<1024xf32, #tpu.memory_space<vmem>>, vector<16xf32>,
    %swap3A_51 = arith.constant 192 : index
    %swap3A_52 = tpu.vector_load %arg8[%swap3A_51] {strides = array<i32>} : memref<1024xf32, #tpu.memory_space<vmem>>, vector<16xf32>,
    tpu.vector_store %arg8[%swap3A_51], %broadcast_in_dim3A_3 {strides = array<i32>} : memref<1024xf32, #tpu.memory_space<vmem>>, vector<16xf32>,
    %swap3A_53 = arith.constant 192 : index
    %swap3A_54 = tpu.vector_load %arg9[%swap3A_53] {strides = array<i32>} : memref<1024xf32, #tpu.memory_space<vmem>>, vector<16xf32>,
    tpu.vector_store %arg9[%swap3A_53], %broadcast_in_dim3A_3 {strides = array<i32>} : memref<1024xf32, #tpu.memory_space<vmem>>, vector<16xf32>,
    %swap3A_55 = arith.constant 208 : index
    %swap3A_56 = tpu.vector_load %arg8[%swap3A_55] {strides = array<i32>} : memref<1024xf32, #tpu.memory_space<vmem>>, vector<16xf32>,
    tpu.vector_store %arg8[%swap3A_55], %broadcast_in_dim3A_3 {strides = array<i32>} : memref<1024xf32, #tpu.memory_space<vmem>>, vector<16xf32>,
    %swap3A_57 = arith.constant 208 : index
    %swap3A_58 = tpu.vector_load %arg9[%swap3A_57] {strides = array<i32>} : memref<1024xf32, #tpu.memory_space<vmem>>, vector<16xf32>,
    tpu.vector_store %arg9[%swap3A_57], %broadcast_in_dim3A_3 {strides = array<i32>} : memref<1024xf32, #tpu.memory_space<vmem>>, vector<16xf32>,
    %swap3A_59 = arith.constant 224 : index
    %swap3A_60 = tpu.vector_load %arg8[%swap3A_59] {strides = array<i32>} : memref<1024xf32, #tpu.memory_space<vmem>>, vector<16xf32>,
    tpu.vector_store %arg8[%swap3A_59], %broadcast_in_dim3A_3 {strides = array<i32>} : memref<1024xf32, #tpu.memory_space<vmem>>, vector<16xf32>,
    %swap3A_61 = arith.constant 224 : index
    %swap3A_62 = tpu.vector_load %arg9[%swap3A_61] {strides = array<i32>} : memref<1024xf32, #tpu.memory_space<vmem>>, vector<16xf32>,
    tpu.vector_store %arg9[%swap3A_61], %broadcast_in_dim3A_3 {strides = array<i32>} : memref<1024xf32, #tpu.memory_space<vmem>>, vector<16xf32>,
    %swap3A_63 = arith.constant 240 : index
    %swap3A_64 = tpu.vector_load %arg8[%swap3A_63] {strides = array<i32>} : memref<1024xf32, #tpu.memory_space<vmem>>, vector<16xf32>,
    tpu.vector_store %arg8[%swap3A_63], %broadcast_in_dim3A_3 {strides = array<i32>} : memref<1024xf32, #tpu.memory_space<vmem>>, vector<16xf32>,
    %swap3A_65 = arith.constant 240 : index
    %swap3A_66 = tpu.vector_load %arg9[%swap3A_65] {strides = array<i32>} : memref<1024xf32, #tpu.memory_space<vmem>>, vector<16xf32>,
    tpu.vector_store %arg9[%swap3A_65], %broadcast_in_dim3A_3 {strides = array<i32>} : memref<1024xf32, #tpu.memory_space<vmem>>, vector<16xf32>,
    %swap3A_67 = arith.constant 256 : index
    %swap3A_68 = tpu.vector_load %arg8[%swap3A_67] {strides = array<i32>} : memref<1024xf32, #tpu.memory_space<vmem>>, vector<16xf32>,
    tpu.vector_store %arg8[%swap3A_67], %broadcast_in_dim3A_3 {strides = array<i32>} : memref<1024xf32, #tpu.memory_space<vmem>>, vector<16xf32>,
    %swap3A_69 = arith.constant 256 : index
    %swap3A_70 = tpu.vector_load %arg9[%swap3A_69] {strides = array<i32>} : memref<1024xf32, #tpu.memory_space<vmem>>, vector<16xf32>,
    tpu.vector_store %arg9[%swap3A_69], %broadcast_in_dim3A_3 {strides = array<i32>} : memref<1024xf32, #tpu.memory_space<vmem>>, vector<16xf32>,
    %swap3A_71 = arith.constant 272 : index
    %swap3A_72 = tpu.vector_load %arg8[%swap3A_71] {strides = array<i32>} : memref<1024xf32, #tpu.memory_space<vmem>>, vector<16xf32>,
    tpu.vector_store %arg8[%swap3A_71], %broadcast_in_dim3A_3 {strides = array<i32>} : memref<1024xf32, #tpu.memory_space<vmem>>, vector<16xf32>,
    %swap3A_73 = arith.constant 272 : index
    %swap3A_74 = tpu.vector_load %arg9[%swap3A_73] {strides = array<i32>} : memref<1024xf32, #tpu.memory_space<vmem>>, vector<16xf32>,
    tpu.vector_store %arg9[%swap3A_73], %broadcast_in_dim3A_3 {strides = array<i32>} : memref<1024xf32, #tpu.memory_space<vmem>>, vector<16xf32>,
    %swap3A_75 = arith.constant 288 : index
    %swap3A_76 = tpu.vector_load %arg8[%swap3A_75] {strides = array<i32>} : memref<1024xf32, #tpu.memory_space<vmem>>, vector<16xf32>,
    tpu.vector_store %arg8[%swap3A_75], %broadcast_in_dim3A_3 {strides = array<i32>} : memref<1024xf32, #tpu.memory_space<vmem>>, vector<16xf32>,
    %swap3A_77 = arith.constant 288 : index
    %swap3A_78 = tpu.vector_load %arg9[%swap3A_77] {strides = array<i32>} : memref<1024xf32, #tpu.memory_space<vmem>>, vector<16xf32>,
    tpu.vector_store %arg9[%swap3A_77], %broadcast_in_dim3A_3 {strides = array<i32>} : memref<1024xf32, #tpu.memory_space<vmem>>, vector<16xf32>,
    %swap3A_79 = arith.constant 304 : index
    %swap3A_80 = tpu.vector_load %arg8[%swap3A_79] {strides = array<i32>} : memref<1024xf32, #tpu.memory_space<vmem>>, vector<16xf32>,
    tpu.vector_store %arg8[%swap3A_79], %broadcast_in_dim3A_3 {strides = array<i32>} : memref<1024xf32, #tpu.memory_space<vmem>>, vector<16xf32>,
    %swap3A_81 = arith.constant 304 : index
    %swap3A_82 = tpu.vector_load %arg9[%swap3A_81] {strides = array<i32>} : memref<1024xf32, #tpu.memory_space<vmem>>, vector<16xf32>,
    tpu.vector_store %arg9[%swap3A_81], %broadcast_in_dim3A_3 {strides = array<i32>} : memref<1024xf32, #tpu.memory_space<vmem>>, vector<16xf32>,
    %swap3A_83 = arith.constant 320 : index
    %swap3A_84 = tpu.vector_load %arg8[%swap3A_83] {strides = array<i32>} : memref<1024xf32, #tpu.memory_space<vmem>>, vector<16xf32>,
    tpu.vector_store %arg8[%swap3A_83], %broadcast_in_dim3A_3 {strides = array<i32>} : memref<1024xf32, #tpu.memory_space<vmem>>, vector<16xf32>,
    %swap3A_85 = arith.constant 320 : index
    %swap3A_86 = tpu.vector_load %arg9[%swap3A_85] {strides = array<i32>} : memref<1024xf32, #tpu.memory_space<vmem>>, vector<16xf32>,
    tpu.vector_store %arg9[%swap3A_85], %broadcast_in_dim3A_3 {strides = array<i32>} : memref<1024xf32, #tpu.memory_space<vmem>>, vector<16xf32>,
    %swap3A_87 = arith.constant 336 : index
    %swap3A_88 = tpu.vector_load %arg8[%swap3A_87] {strides = array<i32>} : memref<1024xf32, #tpu.memory_space<vmem>>, vector<16xf32>,
    tpu.vector_store %arg8[%swap3A_87], %broadcast_in_dim3A_3 {strides = array<i32>} : memref<1024xf32, #tpu.memory_space<vmem>>, vector<16xf32>,
    %swap3A_89 = arith.constant 336 : index
    %swap3A_90 = tpu.vector_load %arg9[%swap3A_89] {strides = array<i32>} : memref<1024xf32, #tpu.memory_space<vmem>>, vector<16xf32>,
    tpu.vector_store %arg9[%swap3A_89], %broadcast_in_dim3A_3 {strides = array<i32>} : memref<1024xf32, #tpu.memory_space<vmem>>, vector<16xf32>,
    %swap3A_91 = arith.constant 352 : index
    %swap3A_92 = tpu.vector_load %arg8[%swap3A_91] {strides = array<i32>} : memref<1024xf32, #tpu.memory_space<vmem>>, vector<16xf32>,
    tpu.vector_store %arg8[%swap3A_91], %broadcast_in_dim3A_3 {strides = array<i32>} : memref<1024xf32, #tpu.memory_space<vmem>>, vector<16xf32>,
    %swap3A_93 = arith.constant 352 : index
    %swap3A_94 = tpu.vector_load %arg9[%swap3A_93] {strides = array<i32>} : memref<1024xf32, #tpu.memory_space<vmem>>, vector<16xf32>,
    tpu.vector_store %arg9[%swap3A_93], %broadcast_in_dim3A_3 {strides = array<i32>} : memref<1024xf32, #tpu.memory_space<vmem>>, vector<16xf32>,
    %swap3A_95 = arith.constant 368 : index
    %swap3A_96 = tpu.vector_load %arg8[%swap3A_95] {strides = array<i32>} : memref<1024xf32, #tpu.memory_space<vmem>>, vector<16xf32>,
    tpu.vector_store %arg8[%swap3A_95], %broadcast_in_dim3A_3 {strides = array<i32>} : memref<1024xf32, #tpu.memory_space<vmem>>, vector<16xf32>,
    %swap3A_97 = arith.constant 368 : index
    %swap3A_98 = tpu.vector_load %arg9[%swap3A_97] {strides = array<i32>} : memref<1024xf32, #tpu.memory_space<vmem>>, vector<16xf32>,
    tpu.vector_store %arg9[%swap3A_97], %broadcast_in_dim3A_3 {strides = array<i32>} : memref<1024xf32, #tpu.memory_space<vmem>>, vector<16xf32>,
    %swap3A_99 = arith.constant 384 : index
    %swap3A_100 = tpu.vector_load %arg8[%swap3A_99] {strides = array<i32>} : memref<1024xf32, #tpu.memory_space<vmem>>, vector<16xf32>,
    tpu.vector_store %arg8[%swap3A_99], %broadcast_in_dim3A_3 {strides = array<i32>} : memref<1024xf32, #tpu.memory_space<vmem>>, vector<16xf32>,
    %swap3A_101 = arith.constant 384 : index
    %swap3A_102 = tpu.vector_load %arg9[%swap3A_101] {strides = array<i32>} : memref<1024xf32, #tpu.memory_space<vmem>>, vector<16xf32>,
    tpu.vector_store %arg9[%swap3A_101], %broadcast_in_dim3A_3 {strides = array<i32>} : memref<1024xf32, #tpu.memory_space<vmem>>, vector<16xf32>,
    %swap3A_103 = arith.constant 400 : index
    %swap3A_104 = tpu.vector_load %arg8[%swap3A_103] {strides = array<i32>} : memref<1024xf32, #tpu.memory_space<vmem>>, vector<16xf32>,
    tpu.vector_store %arg8[%swap3A_103], %broadcast_in_dim3A_3 {strides = array<i32>} : memref<1024xf32, #tpu.memory_space<vmem>>, vector<16xf32>,
    %swap3A_105 = arith.constant 400 : index
    %swap3A_106 = tpu.vector_load %arg9[%swap3A_105] {strides = array<i32>} : memref<1024xf32, #tpu.memory_space<vmem>>, vector<16xf32>,
    tpu.vector_store %arg9[%swap3A_105], %broadcast_in_dim3A_3 {strides = array<i32>} : memref<1024xf32, #tpu.memory_space<vmem>>, vector<16xf32>,
    %swap3A_107 = arith.constant 416 : index
    %swap3A_108 = tpu.vector_load %arg8[%swap3A_107] {strides = array<i32>} : memref<1024xf32, #tpu.memory_space<vmem>>, vector<16xf32>,
    tpu.vector_store %arg8[%swap3A_107], %broadcast_in_dim3A_3 {strides = array<i32>} : memref<1024xf32, #tpu.memory_space<vmem>>, vector<16xf32>,
    %swap3A_109 = arith.constant 416 : index
    %swap3A_110 = tpu.vector_load %arg9[%swap3A_109] {strides = array<i32>} : memref<1024xf32, #tpu.memory_space<vmem>>, vector<16xf32>,
    tpu.vector_store %arg9[%swap3A_109], %broadcast_in_dim3A_3 {strides = array<i32>} : memref<1024xf32, #tpu.memory_space<vmem>>, vector<16xf32>,
    %swap3A_111 = arith.constant 432 : index
    %swap3A_112 = tpu.vector_load %arg8[%swap3A_111] {strides = array<i32>} : memref<1024xf32, #tpu.memory_space<vmem>>, vector<16xf32>,
    tpu.vector_store %arg8[%swap3A_111], %broadcast_in_dim3A_3 {strides = array<i32>} : memref<1024xf32, #tpu.memory_space<vmem>>, vector<16xf32>,
    %swap3A_113 = arith.constant 432 : index
    %swap3A_114 = tpu.vector_load %arg9[%swap3A_113] {strides = array<i32>} : memref<1024xf32, #tpu.memory_space<vmem>>, vector<16xf32>,
    tpu.vector_store %arg9[%swap3A_113], %broadcast_in_dim3A_3 {strides = array<i32>} : memref<1024xf32, #tpu.memory_space<vmem>>, vector<16xf32>,
    %swap3A_115 = arith.constant 448 : index
    %swap3A_116 = tpu.vector_load %arg8[%swap3A_115] {strides = array<i32>} : memref<1024xf32, #tpu.memory_space<vmem>>, vector<16xf32>,
    tpu.vector_store %arg8[%swap3A_115], %broadcast_in_dim3A_3 {strides = array<i32>} : memref<1024xf32, #tpu.memory_space<vmem>>, vector<16xf32>,
    %swap3A_117 = arith.constant 448 : index
    %swap3A_118 = tpu.vector_load %arg9[%swap3A_117] {strides = array<i32>} : memref<1024xf32, #tpu.memory_space<vmem>>, vector<16xf32>,
    tpu.vector_store %arg9[%swap3A_117], %broadcast_in_dim3A_3 {strides = array<i32>} : memref<1024xf32, #tpu.memory_space<vmem>>, vector<16xf32>,
    %swap3A_119 = arith.constant 464 : index
    %swap3A_120 = tpu.vector_load %arg8[%swap3A_119] {strides = array<i32>} : memref<1024xf32, #tpu.memory_space<vmem>>, vector<16xf32>,
    tpu.vector_store %arg8[%swap3A_119], %broadcast_in_dim3A_3 {strides = array<i32>} : memref<1024xf32, #tpu.memory_space<vmem>>, vector<16xf32>,
    %swap3A_121 = arith.constant 464 : index
    %swap3A_122 = tpu.vector_load %arg9[%swap3A_121] {strides = array<i32>} : memref<1024xf32, #tpu.memory_space<vmem>>, vector<16xf32>,
    tpu.vector_store %arg9[%swap3A_121], %broadcast_in_dim3A_3 {strides = array<i32>} : memref<1024xf32, #tpu.memory_space<vmem>>, vector<16xf32>,
    %swap3A_123 = arith.constant 480 : index
    %swap3A_124 = tpu.vector_load %arg8[%swap3A_123] {strides = array<i32>} : memref<1024xf32, #tpu.memory_space<vmem>>, vector<16xf32>,
    tpu.vector_store %arg8[%swap3A_123], %broadcast_in_dim3A_3 {strides = array<i32>} : memref<1024xf32, #tpu.memory_space<vmem>>, vector<16xf32>,
    %swap3A_125 = arith.constant 480 : index
    %swap3A_126 = tpu.vector_load %arg9[%swap3A_125] {strides = array<i32>} : memref<1024xf32, #tpu.memory_space<vmem>>, vector<16xf32>,
    tpu.vector_store %arg9[%swap3A_125], %broadcast_in_dim3A_3 {strides = array<i32>} : memref<1024xf32, #tpu.memory_space<vmem>>, vector<16xf32>,
    %swap3A_127 = arith.constant 496 : index
    %swap3A_128 = tpu.vector_load %arg8[%swap3A_127] {strides = array<i32>} : memref<1024xf32, #tpu.memory_space<vmem>>, vector<16xf32>,
    tpu.vector_store %arg8[%swap3A_127], %broadcast_in_dim3A_3 {strides = array<i32>} : memref<1024xf32, #tpu.memory_space<vmem>>, vector<16xf32>,
    %swap3A_129 = arith.constant 496 : index
    %swap3A_130 = tpu.vector_load %arg9[%swap3A_129] {strides = array<i32>} : memref<1024xf32, #tpu.memory_space<vmem>>, vector<16xf32>,
    tpu.vector_store %arg9[%swap3A_129], %broadcast_in_dim3A_3 {strides = array<i32>} : memref<1024xf32, #tpu.memory_space<vmem>>, vector<16xf32>,
    %swap3A_131 = arith.constant 512 : index
    %swap3A_132 = tpu.vector_load %arg8[%swap3A_131] {strides = array<i32>} : memref<1024xf32, #tpu.memory_space<vmem>>, vector<16xf32>,
    tpu.vector_store %arg8[%swap3A_131], %broadcast_in_dim3A_3 {strides = array<i32>} : memref<1024xf32, #tpu.memory_space<vmem>>, vector<16xf32>,
    %swap3A_133 = arith.constant 512 : index
    %swap3A_134 = tpu.vector_load %arg9[%swap3A_133] {strides = array<i32>} : memref<1024xf32, #tpu.memory_space<vmem>>, vector<16xf32>,
    tpu.vector_store %arg9[%swap3A_133], %broadcast_in_dim3A_3 {strides = array<i32>} : memref<1024xf32, #tpu.memory_space<vmem>>, vector<16xf32>,
    %swap3A_135 = arith.constant 528 : index
    %swap3A_136 = tpu.vector_load %arg8[%swap3A_135] {strides = array<i32>} : memref<1024xf32, #tpu.memory_space<vmem>>, vector<16xf32>,
    tpu.vector_store %arg8[%swap3A_135], %broadcast_in_dim3A_3 {strides = array<i32>} : memref<1024xf32, #tpu.memory_space<vmem>>, vector<16xf32>,
    %swap3A_137 = arith.constant 528 : index
    %swap3A_138 = tpu.vector_load %arg9[%swap3A_137] {strides = array<i32>} : memref<1024xf32, #tpu.memory_space<vmem>>, vector<16xf32>,
    tpu.vector_store %arg9[%swap3A_137], %broadcast_in_dim3A_3 {strides = array<i32>} : memref<1024xf32, #tpu.memory_space<vmem>>, vector<16xf32>,
    %swap3A_139 = arith.constant 544 : index
    %swap3A_140 = tpu.vector_load %arg8[%swap3A_139] {strides = array<i32>} : memref<1024xf32, #tpu.memory_space<vmem>>, vector<16xf32>,
    tpu.vector_store %arg8[%swap3A_139], %broadcast_in_dim3A_3 {strides = array<i32>} : memref<1024xf32, #tpu.memory_space<vmem>>, vector<16xf32>,
    %swap3A_141 = arith.constant 544 : index
    %swap3A_142 = tpu.vector_load %arg9[%swap3A_141] {strides = array<i32>} : memref<1024xf32, #tpu.memory_space<vmem>>, vector<16xf32>,
    tpu.vector_store %arg9[%swap3A_141], %broadcast_in_dim3A_3 {strides = array<i32>} : memref<1024xf32, #tpu.memory_space<vmem>>, vector<16xf32>,
    %swap3A_143 = arith.constant 560 : index
    %swap3A_144 = tpu.vector_load %arg8[%swap3A_143] {strides = array<i32>} : memref<1024xf32, #tpu.memory_space<vmem>>, vector<16xf32>,
    tpu.vector_store %arg8[%swap3A_143], %broadcast_in_dim3A_3 {strides = array<i32>} : memref<1024xf32, #tpu.memory_space<vmem>>, vector<16xf32>,
    %swap3A_145 = arith.constant 560 : index
    %swap3A_146 = tpu.vector_load %arg9[%swap3A_145] {strides = array<i32>} : memref<1024xf32, #tpu.memory_space<vmem>>, vector<16xf32>,
    tpu.vector_store %arg9[%swap3A_145], %broadcast_in_dim3A_3 {strides = array<i32>} : memref<1024xf32, #tpu.memory_space<vmem>>, vector<16xf32>,
    %swap3A_147 = arith.constant 576 : index
    %swap3A_148 = tpu.vector_load %arg8[%swap3A_147] {strides = array<i32>} : memref<1024xf32, #tpu.memory_space<vmem>>, vector<16xf32>,
    tpu.vector_store %arg8[%swap3A_147], %broadcast_in_dim3A_3 {strides = array<i32>} : memref<1024xf32, #tpu.memory_space<vmem>>, vector<16xf32>,
    %swap3A_149 = arith.constant 576 : index
    %swap3A_150 = tpu.vector_load %arg9[%swap3A_149] {strides = array<i32>} : memref<1024xf32, #tpu.memory_space<vmem>>, vector<16xf32>,
    tpu.vector_store %arg9[%swap3A_149], %broadcast_in_dim3A_3 {strides = array<i32>} : memref<1024xf32, #tpu.memory_space<vmem>>, vector<16xf32>,
    %swap3A_151 = arith.constant 592 : index
    %swap3A_152 = tpu.vector_load %arg8[%swap3A_151] {strides = array<i32>} : memref<1024xf32, #tpu.memory_space<vmem>>, vector<16xf32>,
    tpu.vector_store %arg8[%swap3A_151], %broadcast_in_dim3A_3 {strides = array<i32>} : memref<1024xf32, #tpu.memory_space<vmem>>, vector<16xf32>,
    %swap3A_153 = arith.constant 592 : index
    %swap3A_154 = tpu.vector_load %arg9[%swap3A_153] {strides = array<i32>} : memref<1024xf32, #tpu.memory_space<vmem>>, vector<16xf32>,
    tpu.vector_store %arg9[%swap3A_153], %broadcast_in_dim3A_3 {strides = array<i32>} : memref<1024xf32, #tpu.memory_space<vmem>>, vector<16xf32>,
    %swap3A_155 = arith.constant 608 : index
    %swap3A_156 = tpu.vector_load %arg8[%swap3A_155] {strides = array<i32>} : memref<1024xf32, #tpu.memory_space<vmem>>, vector<16xf32>,
    tpu.vector_store %arg8[%swap3A_155], %broadcast_in_dim3A_3 {strides = array<i32>} : memref<1024xf32, #tpu.memory_space<vmem>>, vector<16xf32>,
    %swap3A_157 = arith.constant 608 : index
    %swap3A_158 = tpu.vector_load %arg9[%swap3A_157] {strides = array<i32>} : memref<1024xf32, #tpu.memory_space<vmem>>, vector<16xf32>,
    tpu.vector_store %arg9[%swap3A_157], %broadcast_in_dim3A_3 {strides = array<i32>} : memref<1024xf32, #tpu.memory_space<vmem>>, vector<16xf32>,
    %swap3A_159 = arith.constant 624 : index
    %swap3A_160 = tpu.vector_load %arg8[%swap3A_159] {strides = array<i32>} : memref<1024xf32, #tpu.memory_space<vmem>>, vector<16xf32>,
    tpu.vector_store %arg8[%swap3A_159], %broadcast_in_dim3A_3 {strides = array<i32>} : memref<1024xf32, #tpu.memory_space<vmem>>, vector<16xf32>,
    %swap3A_161 = arith.constant 624 : index
    %swap3A_162 = tpu.vector_load %arg9[%swap3A_161] {strides = array<i32>} : memref<1024xf32, #tpu.memory_space<vmem>>, vector<16xf32>,
    tpu.vector_store %arg9[%swap3A_161], %broadcast_in_dim3A_3 {strides = array<i32>} : memref<1024xf32, #tpu.memory_space<vmem>>, vector<16xf32>,
    %swap3A_163 = arith.constant 640 : index
    %swap3A_164 = tpu.vector_load %arg8[%swap3A_163] {strides = array<i32>} : memref<1024xf32, #tpu.memory_space<vmem>>, vector<16xf32>,
    tpu.vector_store %arg8[%swap3A_163], %broadcast_in_dim3A_3 {strides = array<i32>} : memref<1024xf32, #tpu.memory_space<vmem>>, vector<16xf32>,
    %swap3A_165 = arith.constant 640 : index
    %swap3A_166 = tpu.vector_load %arg9[%swap3A_165] {strides = array<i32>} : memref<1024xf32, #tpu.memory_space<vmem>>, vector<16xf32>,
    tpu.vector_store %arg9[%swap3A_165], %broadcast_in_dim3A_3 {strides = array<i32>} : memref<1024xf32, #tpu.memory_space<vmem>>, vector<16xf32>,
    %swap3A_167 = arith.constant 656 : index
    %swap3A_168 = tpu.vector_load %arg8[%swap3A_167] {strides = array<i32>} : memref<1024xf32, #tpu.memory_space<vmem>>, vector<16xf32>,
    tpu.vector_store %arg8[%swap3A_167], %broadcast_in_dim3A_3 {strides = array<i32>} : memref<1024xf32, #tpu.memory_space<vmem>>, vector<16xf32>,
    %swap3A_169 = arith.constant 656 : index
    %swap3A_170 = tpu.vector_load %arg9[%swap3A_169] {strides = array<i32>} : memref<1024xf32, #tpu.memory_space<vmem>>, vector<16xf32>,
    tpu.vector_store %arg9[%swap3A_169], %broadcast_in_dim3A_3 {strides = array<i32>} : memref<1024xf32, #tpu.memory_space<vmem>>, vector<16xf32>,
    %swap3A_171 = arith.constant 672 : index
    %swap3A_172 = tpu.vector_load %arg8[%swap3A_171] {strides = array<i32>} : memref<1024xf32, #tpu.memory_space<vmem>>, vector<16xf32>,
    tpu.vector_store %arg8[%swap3A_171], %broadcast_in_dim3A_3 {strides = array<i32>} : memref<1024xf32, #tpu.memory_space<vmem>>, vector<16xf32>,
    %swap3A_173 = arith.constant 672 : index
    %swap3A_174 = tpu.vector_load %arg9[%swap3A_173] {strides = array<i32>} : memref<1024xf32, #tpu.memory_space<vmem>>, vector<16xf32>,
    tpu.vector_store %arg9[%swap3A_173], %broadcast_in_dim3A_3 {strides = array<i32>} : memref<1024xf32, #tpu.memory_space<vmem>>, vector<16xf32>,
    %swap3A_175 = arith.constant 688 : index
    %swap3A_176 = tpu.vector_load %arg8[%swap3A_175] {strides = array<i32>} : memref<1024xf32, #tpu.memory_space<vmem>>, vector<16xf32>,
    tpu.vector_store %arg8[%swap3A_175], %broadcast_in_dim3A_3 {strides = array<i32>} : memref<1024xf32, #tpu.memory_space<vmem>>, vector<16xf32>,
    %swap3A_177 = arith.constant 688 : index
    %swap3A_178 = tpu.vector_load %arg9[%swap3A_177] {strides = array<i32>} : memref<1024xf32, #tpu.memory_space<vmem>>, vector<16xf32>,
    tpu.vector_store %arg9[%swap3A_177], %broadcast_in_dim3A_3 {strides = array<i32>} : memref<1024xf32, #tpu.memory_space<vmem>>, vector<16xf32>,
    %swap3A_179 = arith.constant 704 : index
    %swap3A_180 = tpu.vector_load %arg8[%swap3A_179] {strides = array<i32>} : memref<1024xf32, #tpu.memory_space<vmem>>, vector<16xf32>,
    tpu.vector_store %arg8[%swap3A_179], %broadcast_in_dim3A_3 {strides = array<i32>} : memref<1024xf32, #tpu.memory_space<vmem>>, vector<16xf32>,
    %swap3A_181 = arith.constant 704 : index
    %swap3A_182 = tpu.vector_load %arg9[%swap3A_181] {strides = array<i32>} : memref<1024xf32, #tpu.memory_space<vmem>>, vector<16xf32>,
    tpu.vector_store %arg9[%swap3A_181], %broadcast_in_dim3A_3 {strides = array<i32>} : memref<1024xf32, #tpu.memory_space<vmem>>, vector<16xf32>,
    %swap3A_183 = arith.constant 720 : index
    %swap3A_184 = tpu.vector_load %arg8[%swap3A_183] {strides = array<i32>} : memref<1024xf32, #tpu.memory_space<vmem>>, vector<16xf32>,
    tpu.vector_store %arg8[%swap3A_183], %broadcast_in_dim3A_3 {strides = array<i32>} : memref<1024xf32, #tpu.memory_space<vmem>>, vector<16xf32>,
    %swap3A_185 = arith.constant 720 : index
    %swap3A_186 = tpu.vector_load %arg9[%swap3A_185] {strides = array<i32>} : memref<1024xf32, #tpu.memory_space<vmem>>, vector<16xf32>,
    tpu.vector_store %arg9[%swap3A_185], %broadcast_in_dim3A_3 {strides = array<i32>} : memref<1024xf32, #tpu.memory_space<vmem>>, vector<16xf32>,
    %swap3A_187 = arith.constant 736 : index
    %swap3A_188 = tpu.vector_load %arg8[%swap3A_187] {strides = array<i32>} : memref<1024xf32, #tpu.memory_space<vmem>>, vector<16xf32>,
    tpu.vector_store %arg8[%swap3A_187], %broadcast_in_dim3A_3 {strides = array<i32>} : memref<1024xf32, #tpu.memory_space<vmem>>, vector<16xf32>,
    %swap3A_189 = arith.constant 736 : index
    %swap3A_190 = tpu.vector_load %arg9[%swap3A_189] {strides = array<i32>} : memref<1024xf32, #tpu.memory_space<vmem>>, vector<16xf32>,
    tpu.vector_store %arg9[%swap3A_189], %broadcast_in_dim3A_3 {strides = array<i32>} : memref<1024xf32, #tpu.memory_space<vmem>>, vector<16xf32>,
    %swap3A_191 = arith.constant 752 : index
    %swap3A_192 = tpu.vector_load %arg8[%swap3A_191] {strides = array<i32>} : memref<1024xf32, #tpu.memory_space<vmem>>, vector<16xf32>,
    tpu.vector_store %arg8[%swap3A_191], %broadcast_in_dim3A_3 {strides = array<i32>} : memref<1024xf32, #tpu.memory_space<vmem>>, vector<16xf32>,
    %swap3A_193 = arith.constant 752 : index
    %swap3A_194 = tpu.vector_load %arg9[%swap3A_193] {strides = array<i32>} : memref<1024xf32, #tpu.memory_space<vmem>>, vector<16xf32>,
    tpu.vector_store %arg9[%swap3A_193], %broadcast_in_dim3A_3 {strides = array<i32>} : memref<1024xf32, #tpu.memory_space<vmem>>, vector<16xf32>,
    %swap3A_195 = arith.constant 768 : index
    %swap3A_196 = tpu.vector_load %arg8[%swap3A_195] {strides = array<i32>} : memref<1024xf32, #tpu.memory_space<vmem>>, vector<16xf32>,
    tpu.vector_store %arg8[%swap3A_195], %broadcast_in_dim3A_3 {strides = array<i32>} : memref<1024xf32, #tpu.memory_space<vmem>>, vector<16xf32>,
    %swap3A_197 = arith.constant 768 : index
    %swap3A_198 = tpu.vector_load %arg9[%swap3A_197] {strides = array<i32>} : memref<1024xf32, #tpu.memory_space<vmem>>, vector<16xf32>,
    tpu.vector_store %arg9[%swap3A_197], %broadcast_in_dim3A_3 {strides = array<i32>} : memref<1024xf32, #tpu.memory_space<vmem>>, vector<16xf32>,
    %swap3A_199 = arith.constant 784 : index
    %swap3A_200 = tpu.vector_load %arg8[%swap3A_199] {strides = array<i32>} : memref<1024xf32, #tpu.memory_space<vmem>>, vector<16xf32>,
    tpu.vector_store %arg8[%swap3A_199], %broadcast_in_dim3A_3 {strides = array<i32>} : memref<1024xf32, #tpu.memory_space<vmem>>, vector<16xf32>,
    %swap3A_201 = arith.constant 784 : index
    %swap3A_202 = tpu.vector_load %arg9[%swap3A_201] {strides = array<i32>} : memref<1024xf32, #tpu.memory_space<vmem>>, vector<16xf32>,
    tpu.vector_store %arg9[%swap3A_201], %broadcast_in_dim3A_3 {strides = array<i32>} : memref<1024xf32, #tpu.memory_space<vmem>>, vector<16xf32>,
    %swap3A_203 = arith.constant 800 : index
    %swap3A_204 = tpu.vector_load %arg8[%swap3A_203] {strides = array<i32>} : memref<1024xf32, #tpu.memory_space<vmem>>, vector<16xf32>,
    tpu.vector_store %arg8[%swap3A_203], %broadcast_in_dim3A_3 {strides = array<i32>} : memref<1024xf32, #tpu.memory_space<vmem>>, vector<16xf32>,
    %swap3A_205 = arith.constant 800 : index
    %swap3A_206 = tpu.vector_load %arg9[%swap3A_205] {strides = array<i32>} : memref<1024xf32, #tpu.memory_space<vmem>>, vector<16xf32>,
    tpu.vector_store %arg9[%swap3A_205], %broadcast_in_dim3A_3 {strides = array<i32>} : memref<1024xf32, #tpu.memory_space<vmem>>, vector<16xf32>,
    %swap3A_207 = arith.constant 816 : index
    %swap3A_208 = tpu.vector_load %arg8[%swap3A_207] {strides = array<i32>} : memref<1024xf32, #tpu.memory_space<vmem>>, vector<16xf32>,
    tpu.vector_store %arg8[%swap3A_207], %broadcast_in_dim3A_3 {strides = array<i32>} : memref<1024xf32, #tpu.memory_space<vmem>>, vector<16xf32>,
    %swap3A_209 = arith.constant 816 : index
    %swap3A_210 = tpu.vector_load %arg9[%swap3A_209] {strides = array<i32>} : memref<1024xf32, #tpu.memory_space<vmem>>, vector<16xf32>,
    tpu.vector_store %arg9[%swap3A_209], %broadcast_in_dim3A_3 {strides = array<i32>} : memref<1024xf32, #tpu.memory_space<vmem>>, vector<16xf32>,
    %swap3A_211 = arith.constant 832 : index
    %swap3A_212 = tpu.vector_load %arg8[%swap3A_211] {strides = array<i32>} : memref<1024xf32, #tpu.memory_space<vmem>>, vector<16xf32>,
    tpu.vector_store %arg8[%swap3A_211], %broadcast_in_dim3A_3 {strides = array<i32>} : memref<1024xf32, #tpu.memory_space<vmem>>, vector<16xf32>,
    %swap3A_213 = arith.constant 832 : index
    %swap3A_214 = tpu.vector_load %arg9[%swap3A_213] {strides = array<i32>} : memref<1024xf32, #tpu.memory_space<vmem>>, vector<16xf32>,
    tpu.vector_store %arg9[%swap3A_213], %broadcast_in_dim3A_3 {strides = array<i32>} : memref<1024xf32, #tpu.memory_space<vmem>>, vector<16xf32>,
    %swap3A_215 = arith.constant 848 : index
    %swap3A_216 = tpu.vector_load %arg8[%swap3A_215] {strides = array<i32>} : memref<1024xf32, #tpu.memory_space<vmem>>, vector<16xf32>,
    tpu.vector_store %arg8[%swap3A_215], %broadcast_in_dim3A_3 {strides = array<i32>} : memref<1024xf32, #tpu.memory_space<vmem>>, vector<16xf32>,
    %swap3A_217 = arith.constant 848 : index
    %swap3A_218 = tpu.vector_load %arg9[%swap3A_217] {strides = array<i32>} : memref<1024xf32, #tpu.memory_space<vmem>>, vector<16xf32>,
    tpu.vector_store %arg9[%swap3A_217], %broadcast_in_dim3A_3 {strides = array<i32>} : memref<1024xf32, #tpu.memory_space<vmem>>, vector<16xf32>,
    %swap3A_219 = arith.constant 864 : index
    %swap3A_220 = tpu.vector_load %arg8[%swap3A_219] {strides = array<i32>} : memref<1024xf32, #tpu.memory_space<vmem>>, vector<16xf32>,
    tpu.vector_store %arg8[%swap3A_219], %broadcast_in_dim3A_3 {strides = array<i32>} : memref<1024xf32, #tpu.memory_space<vmem>>, vector<16xf32>,
    %swap3A_221 = arith.constant 864 : index
    %swap3A_222 = tpu.vector_load %arg9[%swap3A_221] {strides = array<i32>} : memref<1024xf32, #tpu.memory_space<vmem>>, vector<16xf32>,
    tpu.vector_store %arg9[%swap3A_221], %broadcast_in_dim3A_3 {strides = array<i32>} : memref<1024xf32, #tpu.memory_space<vmem>>, vector<16xf32>,
    %swap3A_223 = arith.constant 880 : index
    %swap3A_224 = tpu.vector_load %arg8[%swap3A_223] {strides = array<i32>} : memref<1024xf32, #tpu.memory_space<vmem>>, vector<16xf32>,
    tpu.vector_store %arg8[%swap3A_223], %broadcast_in_dim3A_3 {strides = array<i32>} : memref<1024xf32, #tpu.memory_space<vmem>>, vector<16xf32>,
    %swap3A_225 = arith.constant 880 : index
    %swap3A_226 = tpu.vector_load %arg9[%swap3A_225] {strides = array<i32>} : memref<1024xf32, #tpu.memory_space<vmem>>, vector<16xf32>,
    tpu.vector_store %arg9[%swap3A_225], %broadcast_in_dim3A_3 {strides = array<i32>} : memref<1024xf32, #tpu.memory_space<vmem>>, vector<16xf32>,
    %swap3A_227 = arith.constant 896 : index
    %swap3A_228 = tpu.vector_load %arg8[%swap3A_227] {strides = array<i32>} : memref<1024xf32, #tpu.memory_space<vmem>>, vector<16xf32>,
    tpu.vector_store %arg8[%swap3A_227], %broadcast_in_dim3A_3 {strides = array<i32>} : memref<1024xf32, #tpu.memory_space<vmem>>, vector<16xf32>,
    %swap3A_229 = arith.constant 896 : index
    %swap3A_230 = tpu.vector_load %arg9[%swap3A_229] {strides = array<i32>} : memref<1024xf32, #tpu.memory_space<vmem>>, vector<16xf32>,
    tpu.vector_store %arg9[%swap3A_229], %broadcast_in_dim3A_3 {strides = array<i32>} : memref<1024xf32, #tpu.memory_space<vmem>>, vector<16xf32>,
    %swap3A_231 = arith.constant 912 : index
    %swap3A_232 = tpu.vector_load %arg8[%swap3A_231] {strides = array<i32>} : memref<1024xf32, #tpu.memory_space<vmem>>, vector<16xf32>,
    tpu.vector_store %arg8[%swap3A_231], %broadcast_in_dim3A_3 {strides = array<i32>} : memref<1024xf32, #tpu.memory_space<vmem>>, vector<16xf32>,
    %swap3A_233 = arith.constant 912 : index
    %swap3A_234 = tpu.vector_load %arg9[%swap3A_233] {strides = array<i32>} : memref<1024xf32, #tpu.memory_space<vmem>>, vector<16xf32>,
    tpu.vector_store %arg9[%swap3A_233], %broadcast_in_dim3A_3 {strides = array<i32>} : memref<1024xf32, #tpu.memory_space<vmem>>, vector<16xf32>,
    %swap3A_235 = arith.constant 928 : index
    %swap3A_236 = tpu.vector_load %arg8[%swap3A_235] {strides = array<i32>} : memref<1024xf32, #tpu.memory_space<vmem>>, vector<16xf32>,
    tpu.vector_store %arg8[%swap3A_235], %broadcast_in_dim3A_3 {strides = array<i32>} : memref<1024xf32, #tpu.memory_space<vmem>>, vector<16xf32>,
    %swap3A_237 = arith.constant 928 : index
    %swap3A_238 = tpu.vector_load %arg9[%swap3A_237] {strides = array<i32>} : memref<1024xf32, #tpu.memory_space<vmem>>, vector<16xf32>,
    tpu.vector_store %arg9[%swap3A_237], %broadcast_in_dim3A_3 {strides = array<i32>} : memref<1024xf32, #tpu.memory_space<vmem>>, vector<16xf32>,
    %swap3A_239 = arith.constant 944 : index
    %swap3A_240 = tpu.vector_load %arg8[%swap3A_239] {strides = array<i32>} : memref<1024xf32, #tpu.memory_space<vmem>>, vector<16xf32>,
    tpu.vector_store %arg8[%swap3A_239], %broadcast_in_dim3A_3 {strides = array<i32>} : memref<1024xf32, #tpu.memory_space<vmem>>, vector<16xf32>,
    %swap3A_241 = arith.constant 944 : index
    %swap3A_242 = tpu.vector_load %arg9[%swap3A_241] {strides = array<i32>} : memref<1024xf32, #tpu.memory_space<vmem>>, vector<16xf32>,
    tpu.vector_store %arg9[%swap3A_241], %broadcast_in_dim3A_3 {strides = array<i32>} : memref<1024xf32, #tpu.memory_space<vmem>>, vector<16xf32>,
    %swap3A_243 = arith.constant 960 : index
    %swap3A_244 = tpu.vector_load %arg8[%swap3A_243] {strides = array<i32>} : memref<1024xf32, #tpu.memory_space<vmem>>, vector<16xf32>,
    tpu.vector_store %arg8[%swap3A_243], %broadcast_in_dim3A_3 {strides = array<i32>} : memref<1024xf32, #tpu.memory_space<vmem>>, vector<16xf32>,
    %swap3A_245 = arith.constant 960 : index
    %swap3A_246 = tpu.vector_load %arg9[%swap3A_245] {strides = array<i32>} : memref<1024xf32, #tpu.memory_space<vmem>>, vector<16xf32>,
    tpu.vector_store %arg9[%swap3A_245], %broadcast_in_dim3A_3 {strides = array<i32>} : memref<1024xf32, #tpu.memory_space<vmem>>, vector<16xf32>,
    %swap3A_247 = arith.constant 976 : index
    %swap3A_248 = tpu.vector_load %arg8[%swap3A_247] {strides = array<i32>} : memref<1024xf32, #tpu.memory_space<vmem>>, vector<16xf32>,
    tpu.vector_store %arg8[%swap3A_247], %broadcast_in_dim3A_3 {strides = array<i32>} : memref<1024xf32, #tpu.memory_space<vmem>>, vector<16xf32>,
    %swap3A_249 = arith.constant 976 : index
    %swap3A_250 = tpu.vector_load %arg9[%swap3A_249] {strides = array<i32>} : memref<1024xf32, #tpu.memory_space<vmem>>, vector<16xf32>,
    tpu.vector_store %arg9[%swap3A_249], %broadcast_in_dim3A_3 {strides = array<i32>} : memref<1024xf32, #tpu.memory_space<vmem>>, vector<16xf32>,
    %swap3A_251 = arith.constant 992 : index
    %swap3A_252 = tpu.vector_load %arg8[%swap3A_251] {strides = array<i32>} : memref<1024xf32, #tpu.memory_space<vmem>>, vector<16xf32>,
    tpu.vector_store %arg8[%swap3A_251], %broadcast_in_dim3A_3 {strides = array<i32>} : memref<1024xf32, #tpu.memory_space<vmem>>, vector<16xf32>,
    %swap3A_253 = arith.constant 992 : index
    %swap3A_254 = tpu.vector_load %arg9[%swap3A_253] {strides = array<i32>} : memref<1024xf32, #tpu.memory_space<vmem>>, vector<16xf32>,
    tpu.vector_store %arg9[%swap3A_253], %broadcast_in_dim3A_3 {strides = array<i32>} : memref<1024xf32, #tpu.memory_space<vmem>>, vector<16xf32>,
    %swap3A_255 = arith.constant 1008 : index
    %swap3A_256 = tpu.vector_load %arg8[%swap3A_255] {strides = array<i32>} : memref<1024xf32, #tpu.memory_space<vmem>>, vector<16xf32>,
    tpu.vector_store %arg8[%swap3A_255], %broadcast_in_dim3A_3 {strides = array<i32>} : memref<1024xf32, #tpu.memory_space<vmem>>, vector<16xf32>,
    %swap3A_257 = arith.constant 1008 : index
    %swap3A_258 = tpu.vector_load %arg9[%swap3A_257] {strides = array<i32>} : memref<1024xf32, #tpu.memory_space<vmem>>, vector<16xf32>,
    tpu.vector_store %arg9[%swap3A_257], %broadcast_in_dim3A_3 {strides = array<i32>} : memref<1024xf32, #tpu.memory_space<vmem>>, vector<16xf32>,
    %mul3A_259 = arith.constant 131072 : i32
    %mul3A_260 = arith.muli %add3A, %mul3A_259 : i32
    %add3A_261 = arith.constant 0 : i32
    %add3A_262 = arith.addi %mul3A_260, %add3A_261 : i32
    %dma_start3A = arith.constant 0 : i32
    %dma_start3A_263 = tpu.memref_slice %arg6[%dma_start3A] : memref<16384xi32, #tpu.memory_space<vmem>> -> memref<8192xi32, #tpu.memory_space<vmem>>
    %dma_start3A_264 = tpu.memref_slice %arg2[%add3A_262] : memref<4194304xi32, #tpu.memory_space<hbm>> -> memref<8192xi32, #tpu.memory_space<hbm>>
    %dma_start3A_265 = arith.constant 0 : i32
    %dma_start3A_266 = tpu.memref_slice %arg6[%dma_start3A_265] : memref<16384xi32, #tpu.memory_space<vmem>> -> memref<8192xi32, #tpu.memory_space<vmem>>
    %dma_start3A_267 = tpu.memref_slice %arg2[%add3A_262] : memref<4194304xi32, #tpu.memory_space<hbm>> -> memref<8192xi32, #tpu.memory_space<hbm>>
    tpu.enqueue_dma source(%dma_start3A_267 : memref<8192xi32, #tpu.memory_space<hbm>>) target(%dma_start3A_266 : memref<8192xi32, #tpu.memory_space<vmem>>) target_semaphore(%arg10 : memref<!tpu.dma_semaphore, #tpu.memory_space<semaphore_mem>>)
    %mul3A_268 = arith.constant 131072 : i32
    %mul3A_269 = arith.muli %add3A, %mul3A_268 : i32
    %add3A_270 = arith.constant 0 : i32
    %add3A_271 = arith.addi %mul3A_269, %add3A_270 : i32
    %dma_start3A_272 = arith.constant 0 : i32
    %dma_start3A_273 = tpu.memref_slice %arg7[%dma_start3A_272] : memref<16384xi32, #tpu.memory_space<vmem>> -> memref<8192xi32, #tpu.memory_space<vmem>>
    %dma_start3A_274 = tpu.memref_slice %arg3[%add3A_271] : memref<4194304xi32, #tpu.memory_space<hbm>> -> memref<8192xi32, #tpu.memory_space<hbm>>
    %dma_start3A_275 = arith.constant 0 : i32
    %dma_start3A_276 = tpu.memref_slice %arg7[%dma_start3A_275] : memref<16384xi32, #tpu.memory_space<vmem>> -> memref<8192xi32, #tpu.memory_space<vmem>>
    %dma_start3A_277 = tpu.memref_slice %arg3[%add3A_271] : memref<4194304xi32, #tpu.memory_space<hbm>> -> memref<8192xi32, #tpu.memory_space<hbm>>
    tpu.enqueue_dma source(%dma_start3A_277 : memref<8192xi32, #tpu.memory_space<hbm>>) target(%dma_start3A_276 : memref<8192xi32, #tpu.memory_space<vmem>>) target_semaphore(%arg10 : memref<!tpu.dma_semaphore, #tpu.memory_space<semaphore_mem>>)
    %scan3A = arith.constant 0 : i32
    %scan3A_278 = arith.constant 0 : i32
    %scan3A_279 = arith.constant 8 : i32
    %scan3A_280 = arith.addi %scan3A_278, %scan3A_279 : i32
    %scan3A_281 = arith.constant 1 : i32
    scf.for %scan3A_287 = %scan3A_278 to %scan3A_280 step %scan3A_281  : i32 {
      %mul3A_288 = arith.constant 2 : i32
      %mul3A_289 = arith.muli %mul3A_288, %scan3A_287 : i32
      %add3A_290 = arith.constant 1 : i32
      %add3A_291 = arith.addi %mul3A_289, %add3A_290 : i32
      %mul3A_292 = arith.constant 131072 : i32
      %mul3A_293 = arith.muli %add3A, %mul3A_292 : i32
      %mul3A_294 = arith.constant 8192 : i32
      %mul3A_295 = arith.muli %add3A_291, %mul3A_294 : i32
      %add3A_296 = arith.addi %mul3A_293, %mul3A_295 : i32
      %dma_start3A_297 = arith.constant 8192 : i32
      %dma_start3A_298 = tpu.memref_slice %arg6[%dma_start3A_297] : memref<16384xi32, #tpu.memory_space<vmem>> -> memref<8192xi32, #tpu.memory_space<vmem>>
      %dma_start3A_299 = tpu.memref_slice %arg2[%add3A_296] : memref<4194304xi32, #tpu.memory_space<hbm>> -> memref<8192xi32, #tpu.memory_space<hbm>>
      %dma_start3A_300 = arith.constant 8192 : i32
      %dma_start3A_301 = tpu.memref_slice %arg6[%dma_start3A_300] : memref<16384xi32, #tpu.memory_space<vmem>> -> memref<8192xi32, #tpu.memory_space<vmem>>
      %dma_start3A_302 = tpu.memref_slice %arg2[%add3A_296] : memref<4194304xi32, #tpu.memory_space<hbm>> -> memref<8192xi32, #tpu.memory_space<hbm>>
      tpu.enqueue_dma source(%dma_start3A_302 : memref<8192xi32, #tpu.memory_space<hbm>>) target(%dma_start3A_301 : memref<8192xi32, #tpu.memory_space<vmem>>) target_semaphore(%arg11 : memref<!tpu.dma_semaphore, #tpu.memory_space<semaphore_mem>>)
      %mul3A_303 = arith.constant 131072 : i32
      %mul3A_304 = arith.muli %add3A, %mul3A_303 : i32
      %mul3A_305 = arith.constant 8192 : i32
      %mul3A_306 = arith.muli %add3A_291, %mul3A_305 : i32
      %add3A_307 = arith.addi %mul3A_304, %mul3A_306 : i32
      %dma_start3A_308 = arith.constant 8192 : i32
      %dma_start3A_309 = tpu.memref_slice %arg7[%dma_start3A_308] : memref<16384xi32, #tpu.memory_space<vmem>> -> memref<8192xi32, #tpu.memory_space<vmem>>
      %dma_start3A_310 = tpu.memref_slice %arg3[%add3A_307] : memref<4194304xi32, #tpu.memory_space<hbm>> -> memref<8192xi32, #tpu.memory_space<hbm>>
      %dma_start3A_311 = arith.constant 8192 : i32
      %dma_start3A_312 = tpu.memref_slice %arg7[%dma_start3A_311] : memref<16384xi32, #tpu.memory_space<vmem>> -> memref<8192xi32, #tpu.memory_space<vmem>>
      %dma_start3A_313 = tpu.memref_slice %arg3[%add3A_307] : memref<4194304xi32, #tpu.memory_space<hbm>> -> memref<8192xi32, #tpu.memory_space<hbm>>
      tpu.enqueue_dma source(%dma_start3A_313 : memref<8192xi32, #tpu.memory_space<hbm>>) target(%dma_start3A_312 : memref<8192xi32, #tpu.memory_space<vmem>>) target_semaphore(%arg11 : memref<!tpu.dma_semaphore, #tpu.memory_space<semaphore_mem>>)
      %dma_wait3A = arith.constant 0 : i32
      %dma_wait3A_314 = tpu.memref_slice %arg6[%dma_wait3A] : memref<16384xi32, #tpu.memory_space<vmem>> -> memref<8192xi32, #tpu.memory_space<vmem>>
      %dma_wait3A_315 = arith.constant 0 : i32
      %dma_wait3A_316 = tpu.memref_slice %arg2[%dma_wait3A_315] : memref<4194304xi32, #tpu.memory_space<hbm>> -> memref<8192xi32, #tpu.memory_space<hbm>>
      %dma_wait3A_317 = arith.constant 0 : i32
      %dma_wait3A_318 = tpu.memref_slice %arg6[%dma_wait3A_317] : memref<16384xi32, #tpu.memory_space<vmem>> -> memref<8192xi32, #tpu.memory_space<vmem>>
      %dma_wait3A_319 = arith.constant 0 : i32
      %dma_wait3A_320 = tpu.memref_slice %arg2[%dma_wait3A_319] : memref<4194304xi32, #tpu.memory_space<hbm>> -> memref<8192xi32, #tpu.memory_space<hbm>>
      tpu.wait_dma2 semaphore(%arg10 : memref<!tpu.dma_semaphore, #tpu.memory_space<semaphore_mem>>) src(%dma_wait3A_320 : memref<8192xi32, #tpu.memory_space<hbm>>) dst(%dma_wait3A_318 : memref<8192xi32, #tpu.memory_space<vmem>>)
      %dma_wait3A_321 = arith.constant 0 : i32
      %dma_wait3A_322 = tpu.memref_slice %arg7[%dma_wait3A_321] : memref<16384xi32, #tpu.memory_space<vmem>> -> memref<8192xi32, #tpu.memory_space<vmem>>
      %dma_wait3A_323 = arith.constant 0 : i32
      %dma_wait3A_324 = tpu.memref_slice %arg3[%dma_wait3A_323] : memref<4194304xi32, #tpu.memory_space<hbm>> -> memref<8192xi32, #tpu.memory_space<hbm>>
      %dma_wait3A_325 = arith.constant 0 : i32
      %dma_wait3A_326 = tpu.memref_slice %arg7[%dma_wait3A_325] : memref<16384xi32, #tpu.memory_space<vmem>> -> memref<8192xi32, #tpu.memory_space<vmem>>
      %dma_wait3A_327 = arith.constant 0 : i32
      %dma_wait3A_328 = tpu.memref_slice %arg3[%dma_wait3A_327] : memref<4194304xi32, #tpu.memory_space<hbm>> -> memref<8192xi32, #tpu.memory_space<hbm>>
      tpu.wait_dma2 semaphore(%arg10 : memref<!tpu.dma_semaphore, #tpu.memory_space<semaphore_mem>>) src(%dma_wait3A_328 : memref<8192xi32, #tpu.memory_space<hbm>>) dst(%dma_wait3A_326 : memref<8192xi32, #tpu.memory_space<vmem>>)
      %parallel_loop3A = arith.constant 0 : i32
      %parallel_loop3A_329 = arith.constant 512 : i32
      %parallel_loop3A_330 = arith.constant 1 : i32
      %parallel_loop3A_331 = arith.constant 0 : i32
      %parallel_loop3A_332 = scf.for %parallel_loop3A_356 = %parallel_loop3A to %parallel_loop3A_329 step %parallel_loop3A_330 iter_args(%parallel_loop3A_357 = %parallel_loop3A_331) -> (i32)  : i32 {
        %parallel_loop3A_358 = arith.constant 16 : i32
        %parallel_loop3A_359 = arith.muli %parallel_loop3A_356, %parallel_loop3A_358 : i32
        %parallel_loop3A_360 = arith.constant 0 : i32
        %parallel_loop3A_361 = arith.addi %parallel_loop3A_360, %parallel_loop3A_359 : i32
        %parallel_loop3A_362 = arith.index_cast %parallel_loop3A_361 : i32 to index
        %parallel_loop3A_363 = tpu.vector_load %arg6[%parallel_loop3A_362] {strides = array<i32>} : memref<16384xi32, #tpu.memory_space<vmem>>, vector<16xi32>,
        %parallel_loop3A_364 = arith.constant 63 : i32
        %parallel_loop3A_365 = vector.broadcast %parallel_loop3A_364 : i32 to vector<16xi32>
        %parallel_loop3A_366 = arith.andi %parallel_loop3A_363, %parallel_loop3A_365 : vector<16xi32>
        %parallel_loop3A_367 = arith.constant 4 : i32
        %parallel_loop3A_368 = vector.broadcast %parallel_loop3A_367 : i32 to vector<16xi32>
        %parallel_loop3A_369 = arith.shli %parallel_loop3A_366, %parallel_loop3A_368 : vector<16xi32>
        %parallel_loop3A_370 = arith.ori %parallel_loop3A_369, %iota3A : vector<16xi32>
        %parallel_loop3A_371 = arith.constant 16 : i32
        %parallel_loop3A_372 = vector.broadcast %parallel_loop3A_371 : i32 to vector<16xi32>
        %parallel_loop3A_373 = arith.shrsi %parallel_loop3A_363, %parallel_loop3A_372 : vector<16xi32>
        %parallel_loop3A_374 = arith.constant 63 : i32
        %parallel_loop3A_375 = vector.broadcast %parallel_loop3A_374 : i32 to vector<16xi32>
        %parallel_loop3A_376 = arith.andi %parallel_loop3A_373, %parallel_loop3A_375 : vector<16xi32>
        %parallel_loop3A_377 = arith.constant 4 : i32
        %parallel_loop3A_378 = vector.broadcast %parallel_loop3A_377 : i32 to vector<16xi32>
        %parallel_loop3A_379 = arith.shli %parallel_loop3A_376, %parallel_loop3A_378 : vector<16xi32>
        %parallel_loop3A_380 = arith.ori %parallel_loop3A_379, %iota3A : vector<16xi32>
        tpu.vector_store_idx %arg8[%parallel_loop3A_370], %broadcast_in_dim3A_1 {add = true} : memref<1024xf32, #tpu.memory_space<vmem>>[vector<16xi32>], vector<16xf32>,
        tpu.vector_store_idx %arg8[%parallel_loop3A_380], %broadcast_in_dim3A_1 {add = true} : memref<1024xf32, #tpu.memory_space<vmem>>[vector<16xi32>], vector<16xf32>,
        %parallel_loop3A_381 = arith.constant 0 : i32
        %parallel_loop3A_382 = arith.addi %parallel_loop3A_381, %parallel_loop3A_359 : i32
        %parallel_loop3A_383 = arith.index_cast %parallel_loop3A_382 : i32 to index
        %parallel_loop3A_384 = tpu.vector_load %arg7[%parallel_loop3A_383] {strides = array<i32>} : memref<16384xi32, #tpu.memory_space<vmem>>, vector<16xi32>,
        %parallel_loop3A_385 = arith.constant 63 : i32
        %parallel_loop3A_386 = vector.broadcast %parallel_loop3A_385 : i32 to vector<16xi32>
        %parallel_loop3A_387 = arith.andi %parallel_loop3A_384, %parallel_loop3A_386 : vector<16xi32>
        %parallel_loop3A_388 = arith.constant 4 : i32
        %parallel_loop3A_389 = vector.broadcast %parallel_loop3A_388 : i32 to vector<16xi32>
        %parallel_loop3A_390 = arith.shli %parallel_loop3A_387, %parallel_loop3A_389 : vector<16xi32>
        %parallel_loop3A_391 = arith.ori %parallel_loop3A_390, %iota3A : vector<16xi32>
        %parallel_loop3A_392 = arith.constant 16 : i32
        %parallel_loop3A_393 = vector.broadcast %parallel_loop3A_392 : i32 to vector<16xi32>
        %parallel_loop3A_394 = arith.shrsi %parallel_loop3A_384, %parallel_loop3A_393 : vector<16xi32>
        %parallel_loop3A_395 = arith.constant 63 : i32
        %parallel_loop3A_396 = vector.broadcast %parallel_loop3A_395 : i32 to vector<16xi32>
        %parallel_loop3A_397 = arith.andi %parallel_loop3A_394, %parallel_loop3A_396 : vector<16xi32>
        %parallel_loop3A_398 = arith.constant 4 : i32
        %parallel_loop3A_399 = vector.broadcast %parallel_loop3A_398 : i32 to vector<16xi32>
        %parallel_loop3A_400 = arith.shli %parallel_loop3A_397, %parallel_loop3A_399 : vector<16xi32>
        %parallel_loop3A_401 = arith.ori %parallel_loop3A_400, %iota3A : vector<16xi32>
        tpu.vector_store_idx %arg9[%parallel_loop3A_391], %broadcast_in_dim3A_1 {add = true} : memref<1024xf32, #tpu.memory_space<vmem>>[vector<16xi32>], vector<16xf32>,
        tpu.vector_store_idx %arg9[%parallel_loop3A_401], %broadcast_in_dim3A_1 {add = true} : memref<1024xf32, #tpu.memory_space<vmem>>[vector<16xi32>], vector<16xf32>,
        scf.yield %parallel_loop3A_357 : i32
      } {sc.loop_unroll_factor = 4 : i64, sc.parallel_access}
      %lt3A = arith.constant 7 : i32
      %lt3A_333 = arith.cmpi slt, %scan3A_287, %lt3A : i32
      %convert_element_type3A = arith.extui %lt3A_333 : i1 to i32
      %cond3A = arith.constant 0 : i32
      %cond3A_334 = arith.cmpi ne, %convert_element_type3A, %cond3A : i32
      scf.if %cond3A_334 {
        %add3A_356 = arith.constant 2 : i32
        %add3A_357 = arith.addi %mul3A_289, %add3A_356 : i32
        %mul3A_358 = arith.constant 131072 : i32
        %mul3A_359 = arith.muli %add3A, %mul3A_358 : i32
        %mul3A_360 = arith.constant 8192 : i32
        %mul3A_361 = arith.muli %add3A_357, %mul3A_360 : i32
        %add3A_362 = arith.addi %mul3A_359, %mul3A_361 : i32
        %dma_start3A_363 = arith.constant 0 : i32
        %dma_start3A_364 = tpu.memref_slice %arg6[%dma_start3A_363] : memref<16384xi32, #tpu.memory_space<vmem>> -> memref<8192xi32, #tpu.memory_space<vmem>>
        %dma_start3A_365 = tpu.memref_slice %arg2[%add3A_362] : memref<4194304xi32, #tpu.memory_space<hbm>> -> memref<8192xi32, #tpu.memory_space<hbm>>
        %dma_start3A_366 = arith.constant 0 : i32
        %dma_start3A_367 = tpu.memref_slice %arg6[%dma_start3A_366] : memref<16384xi32, #tpu.memory_space<vmem>> -> memref<8192xi32, #tpu.memory_space<vmem>>
        %dma_start3A_368 = tpu.memref_slice %arg2[%add3A_362] : memref<4194304xi32, #tpu.memory_space<hbm>> -> memref<8192xi32, #tpu.memory_space<hbm>>
        tpu.enqueue_dma source(%dma_start3A_368 : memref<8192xi32, #tpu.memory_space<hbm>>) target(%dma_start3A_367 : memref<8192xi32, #tpu.memory_space<vmem>>) target_semaphore(%arg10 : memref<!tpu.dma_semaphore, #tpu.memory_space<semaphore_mem>>)
        %mul3A_369 = arith.constant 131072 : i32
        %mul3A_370 = arith.muli %add3A, %mul3A_369 : i32
        %mul3A_371 = arith.constant 8192 : i32
        %mul3A_372 = arith.muli %add3A_357, %mul3A_371 : i32
        %add3A_373 = arith.addi %mul3A_370, %mul3A_372 : i32
        %dma_start3A_374 = arith.constant 0 : i32
        %dma_start3A_375 = tpu.memref_slice %arg7[%dma_start3A_374] : memref<16384xi32, #tpu.memory_space<vmem>> -> memref<8192xi32, #tpu.memory_space<vmem>>
        %dma_start3A_376 = tpu.memref_slice %arg3[%add3A_373] : memref<4194304xi32, #tpu.memory_space<hbm>> -> memref<8192xi32, #tpu.memory_space<hbm>>
        %dma_start3A_377 = arith.constant 0 : i32
        %dma_start3A_378 = tpu.memref_slice %arg7[%dma_start3A_377] : memref<16384xi32, #tpu.memory_space<vmem>> -> memref<8192xi32, #tpu.memory_space<vmem>>
        %dma_start3A_379 = tpu.memref_slice %arg3[%add3A_373] : memref<4194304xi32, #tpu.memory_space<hbm>> -> memref<8192xi32, #tpu.memory_space<hbm>>
        tpu.enqueue_dma source(%dma_start3A_379 : memref<8192xi32, #tpu.memory_space<hbm>>) target(%dma_start3A_378 : memref<8192xi32, #tpu.memory_space<vmem>>) target_semaphore(%arg10 : memref<!tpu.dma_semaphore, #tpu.memory_space<semaphore_mem>>)
      } else {
      }
      %dma_wait3A_335 = arith.constant 8192 : i32
      %dma_wait3A_336 = tpu.memref_slice %arg6[%dma_wait3A_335] : memref<16384xi32, #tpu.memory_space<vmem>> -> memref<8192xi32, #tpu.memory_space<vmem>>
      %dma_wait3A_337 = arith.constant 0 : i32
      %dma_wait3A_338 = tpu.memref_slice %arg2[%dma_wait3A_337] : memref<4194304xi32, #tpu.memory_space<hbm>> -> memref<8192xi32, #tpu.memory_space<hbm>>
      %dma_wait3A_339 = arith.constant 8192 : i32
      %dma_wait3A_340 = tpu.memref_slice %arg6[%dma_wait3A_339] : memref<16384xi32, #tpu.memory_space<vmem>> -> memref<8192xi32, #tpu.memory_space<vmem>>
      %dma_wait3A_341 = arith.constant 0 : i32
      %dma_wait3A_342 = tpu.memref_slice %arg2[%dma_wait3A_341] : memref<4194304xi32, #tpu.memory_space<hbm>> -> memref<8192xi32, #tpu.memory_space<hbm>>
      tpu.wait_dma2 semaphore(%arg11 : memref<!tpu.dma_semaphore, #tpu.memory_space<semaphore_mem>>) src(%dma_wait3A_342 : memref<8192xi32, #tpu.memory_space<hbm>>) dst(%dma_wait3A_340 : memref<8192xi32, #tpu.memory_space<vmem>>)
      %dma_wait3A_343 = arith.constant 8192 : i32
      %dma_wait3A_344 = tpu.memref_slice %arg7[%dma_wait3A_343] : memref<16384xi32, #tpu.memory_space<vmem>> -> memref<8192xi32, #tpu.memory_space<vmem>>
      %dma_wait3A_345 = arith.constant 0 : i32
      %dma_wait3A_346 = tpu.memref_slice %arg3[%dma_wait3A_345] : memref<4194304xi32, #tpu.memory_space<hbm>> -> memref<8192xi32, #tpu.memory_space<hbm>>
      %dma_wait3A_347 = arith.constant 8192 : i32
      %dma_wait3A_348 = tpu.memref_slice %arg7[%dma_wait3A_347] : memref<16384xi32, #tpu.memory_space<vmem>> -> memref<8192xi32, #tpu.memory_space<vmem>>
      %dma_wait3A_349 = arith.constant 0 : i32
      %dma_wait3A_350 = tpu.memref_slice %arg3[%dma_wait3A_349] : memref<4194304xi32, #tpu.memory_space<hbm>> -> memref<8192xi32, #tpu.memory_space<hbm>>
      tpu.wait_dma2 semaphore(%arg11 : memref<!tpu.dma_semaphore, #tpu.memory_space<semaphore_mem>>) src(%dma_wait3A_350 : memref<8192xi32, #tpu.memory_space<hbm>>) dst(%dma_wait3A_348 : memref<8192xi32, #tpu.memory_space<vmem>>)
      %parallel_loop3A_351 = arith.constant 0 : i32
      %parallel_loop3A_352 = arith.constant 512 : i32
      %parallel_loop3A_353 = arith.constant 1 : i32
      %parallel_loop3A_354 = arith.constant 0 : i32
      %parallel_loop3A_355 = scf.for %parallel_loop3A_356 = %parallel_loop3A_351 to %parallel_loop3A_352 step %parallel_loop3A_353 iter_args(%parallel_loop3A_357 = %parallel_loop3A_354) -> (i32)  : i32 {
        %parallel_loop3A_358 = arith.constant 16 : i32
        %parallel_loop3A_359 = arith.muli %parallel_loop3A_356, %parallel_loop3A_358 : i32
        %parallel_loop3A_360 = arith.constant 8192 : i32
        %parallel_loop3A_361 = arith.addi %parallel_loop3A_360, %parallel_loop3A_359 : i32
        %parallel_loop3A_362 = arith.index_cast %parallel_loop3A_361 : i32 to index
        %parallel_loop3A_363 = tpu.vector_load %arg6[%parallel_loop3A_362] {strides = array<i32>} : memref<16384xi32, #tpu.memory_space<vmem>>, vector<16xi32>,
        %parallel_loop3A_364 = arith.constant 63 : i32
        %parallel_loop3A_365 = vector.broadcast %parallel_loop3A_364 : i32 to vector<16xi32>
        %parallel_loop3A_366 = arith.andi %parallel_loop3A_363, %parallel_loop3A_365 : vector<16xi32>
        %parallel_loop3A_367 = arith.constant 4 : i32
        %parallel_loop3A_368 = vector.broadcast %parallel_loop3A_367 : i32 to vector<16xi32>
        %parallel_loop3A_369 = arith.shli %parallel_loop3A_366, %parallel_loop3A_368 : vector<16xi32>
        %parallel_loop3A_370 = arith.ori %parallel_loop3A_369, %iota3A : vector<16xi32>
        %parallel_loop3A_371 = arith.constant 16 : i32
        %parallel_loop3A_372 = vector.broadcast %parallel_loop3A_371 : i32 to vector<16xi32>
        %parallel_loop3A_373 = arith.shrsi %parallel_loop3A_363, %parallel_loop3A_372 : vector<16xi32>
        %parallel_loop3A_374 = arith.constant 63 : i32
        %parallel_loop3A_375 = vector.broadcast %parallel_loop3A_374 : i32 to vector<16xi32>
        %parallel_loop3A_376 = arith.andi %parallel_loop3A_373, %parallel_loop3A_375 : vector<16xi32>
        %parallel_loop3A_377 = arith.constant 4 : i32
        %parallel_loop3A_378 = vector.broadcast %parallel_loop3A_377 : i32 to vector<16xi32>
        %parallel_loop3A_379 = arith.shli %parallel_loop3A_376, %parallel_loop3A_378 : vector<16xi32>
        %parallel_loop3A_380 = arith.ori %parallel_loop3A_379, %iota3A : vector<16xi32>
        tpu.vector_store_idx %arg8[%parallel_loop3A_370], %broadcast_in_dim3A_1 {add = true} : memref<1024xf32, #tpu.memory_space<vmem>>[vector<16xi32>], vector<16xf32>,
        tpu.vector_store_idx %arg8[%parallel_loop3A_380], %broadcast_in_dim3A_1 {add = true} : memref<1024xf32, #tpu.memory_space<vmem>>[vector<16xi32>], vector<16xf32>,
        %parallel_loop3A_381 = arith.constant 8192 : i32
        %parallel_loop3A_382 = arith.addi %parallel_loop3A_381, %parallel_loop3A_359 : i32
        %parallel_loop3A_383 = arith.index_cast %parallel_loop3A_382 : i32 to index
        %parallel_loop3A_384 = tpu.vector_load %arg7[%parallel_loop3A_383] {strides = array<i32>} : memref<16384xi32, #tpu.memory_space<vmem>>, vector<16xi32>,
        %parallel_loop3A_385 = arith.constant 63 : i32
        %parallel_loop3A_386 = vector.broadcast %parallel_loop3A_385 : i32 to vector<16xi32>
        %parallel_loop3A_387 = arith.andi %parallel_loop3A_384, %parallel_loop3A_386 : vector<16xi32>
        %parallel_loop3A_388 = arith.constant 4 : i32
        %parallel_loop3A_389 = vector.broadcast %parallel_loop3A_388 : i32 to vector<16xi32>
        %parallel_loop3A_390 = arith.shli %parallel_loop3A_387, %parallel_loop3A_389 : vector<16xi32>
        %parallel_loop3A_391 = arith.ori %parallel_loop3A_390, %iota3A : vector<16xi32>
        %parallel_loop3A_392 = arith.constant 16 : i32
        %parallel_loop3A_393 = vector.broadcast %parallel_loop3A_392 : i32 to vector<16xi32>
        %parallel_loop3A_394 = arith.shrsi %parallel_loop3A_384, %parallel_loop3A_393 : vector<16xi32>
        %parallel_loop3A_395 = arith.constant 63 : i32
        %parallel_loop3A_396 = vector.broadcast %parallel_loop3A_395 : i32 to vector<16xi32>
        %parallel_loop3A_397 = arith.andi %parallel_loop3A_394, %parallel_loop3A_396 : vector<16xi32>
        %parallel_loop3A_398 = arith.constant 4 : i32
        %parallel_loop3A_399 = vector.broadcast %parallel_loop3A_398 : i32 to vector<16xi32>
        %parallel_loop3A_400 = arith.shli %parallel_loop3A_397, %parallel_loop3A_399 : vector<16xi32>
        %parallel_loop3A_401 = arith.ori %parallel_loop3A_400, %iota3A : vector<16xi32>
        tpu.vector_store_idx %arg9[%parallel_loop3A_391], %broadcast_in_dim3A_1 {add = true} : memref<1024xf32, #tpu.memory_space<vmem>>[vector<16xi32>], vector<16xf32>,
        tpu.vector_store_idx %arg9[%parallel_loop3A_401], %broadcast_in_dim3A_1 {add = true} : memref<1024xf32, #tpu.memory_space<vmem>>[vector<16xi32>], vector<16xf32>,
        scf.yield %parallel_loop3A_357 : i32
      } {sc.loop_unroll_factor = 4 : i64, sc.parallel_access}
    }
    %scan3A_282 = arith.constant 8 : i32
    %mul3A_283 = arith.constant 1024 : i32
    %mul3A_284 = arith.muli %add3A, %mul3A_283 : i32
    "tpu.region"() ({
      %run_scoped3A = tpu.sem_alloc : memref<!tpu.dma_semaphore, #tpu.memory_space<semaphore_mem>>
      %dma_start3A_287 = tpu.memref_slice %arg4[%mul3A_284] : memref<32768xf32, #tpu.memory_space<hbm>> -> memref<1024xf32, #tpu.memory_space<hbm>>
      %dma_start3A_288 = tpu.memref_slice %arg4[%mul3A_284] : memref<32768xf32, #tpu.memory_space<hbm>> -> memref<1024xf32, #tpu.memory_space<hbm>>
      tpu.enqueue_dma source(%arg8 : memref<1024xf32, #tpu.memory_space<vmem>>) target(%dma_start3A_288 : memref<1024xf32, #tpu.memory_space<hbm>>) target_semaphore(%run_scoped3A : memref<!tpu.dma_semaphore, #tpu.memory_space<semaphore_mem>>)
      %dma_wait3A = tpu.memref_slice %arg4[%mul3A_284] : memref<32768xf32, #tpu.memory_space<hbm>> -> memref<1024xf32, #tpu.memory_space<hbm>>
      %dma_wait3A_289 = tpu.memref_slice %arg4[%mul3A_284] : memref<32768xf32, #tpu.memory_space<hbm>> -> memref<1024xf32, #tpu.memory_space<hbm>>
      tpu.wait_dma2 semaphore(%run_scoped3A : memref<!tpu.dma_semaphore, #tpu.memory_space<semaphore_mem>>) src(%arg8 : memref<1024xf32, #tpu.memory_space<vmem>>) dst(%dma_wait3A_289 : memref<1024xf32, #tpu.memory_space<hbm>>)
      tpu.yield
    }) : () -> ()
    %mul3A_285 = arith.constant 1024 : i32
    %mul3A_286 = arith.muli %add3A, %mul3A_285 : i32
    "tpu.region"() ({
      %run_scoped3A = tpu.sem_alloc : memref<!tpu.dma_semaphore, #tpu.memory_space<semaphore_mem>>
      %dma_start3A_287 = tpu.memref_slice %arg5[%mul3A_286] : memref<32768xf32, #tpu.memory_space<hbm>> -> memref<1024xf32, #tpu.memory_space<hbm>>
      %dma_start3A_288 = tpu.memref_slice %arg5[%mul3A_286] : memref<32768xf32, #tpu.memory_space<hbm>> -> memref<1024xf32, #tpu.memory_space<hbm>>
      tpu.enqueue_dma source(%arg9 : memref<1024xf32, #tpu.memory_space<vmem>>) target(%dma_start3A_288 : memref<1024xf32, #tpu.memory_space<hbm>>) target_semaphore(%run_scoped3A : memref<!tpu.dma_semaphore, #tpu.memory_space<semaphore_mem>>)
      %dma_wait3A = tpu.memref_slice %arg5[%mul3A_286] : memref<32768xf32, #tpu.memory_space<hbm>> -> memref<1024xf32, #tpu.memory_space<hbm>>
      %dma_wait3A_289 = tpu.memref_slice %arg5[%mul3A_286] : memref<32768xf32, #tpu.memory_space<hbm>> -> memref<1024xf32, #tpu.memory_space<hbm>>
      tpu.wait_dma2 semaphore(%run_scoped3A : memref<!tpu.dma_semaphore, #tpu.memory_space<semaphore_mem>>) src(%arg9 : memref<1024xf32, #tpu.memory_space<vmem>>) dst(%dma_wait3A_289 : memref<1024xf32, #tpu.memory_space<hbm>>)
      tpu.yield
    }) : () -> ()
    return
  }
}

module attributes {stable_mosaic.version = 14 : i64} {
  func.func @_tc_bin_body(%arg0: i32, %arg1: i32, %arg2: memref<4xf32, #tpu.memory_space<smem>>, %arg3: memref<1x3x512x512xf32, #tpu.memory_space<vmem>>, %arg4: memref<1x3x512x512xf32, #tpu.memory_space<vmem>>, %arg5: memref<1x256x512xi32, #tpu.memory_space<vmem>>, %arg6: memref<1x256x512xi32, #tpu.memory_space<vmem>>, %arg7: memref<1x1x8xf32, #tpu.memory_space<vmem>>) attributes {dimension_semantics = [#tpu.dimension_semantics<arbitrary>, #tpu.dimension_semantics<arbitrary>], iteration_bounds = array<i64: 32, 1>, scalar_prefetch = 0 : i64, scratch_operands = 0 : i64, tpu.core_type = #tpu.core_type<tc>, window_params = [{transform_indices = @transform_0, window_bounds = array<i64: 4>}, {transform_indices = @transform_1, window_bounds = array<i64: 1, 3, 512, 512>}, {transform_indices = @transform_2, window_bounds = array<i64: 1, 3, 512, 512>}, {transform_indices = @transform_3, window_bounds = array<i64: 1, 256, 512>}, {transform_indices = @transform_4, window_bounds = array<i64: 1, 256, 512>}, {transform_indices = @transform_5, window_bounds = array<i64: 1, 1, 8>}]} {
    %get3A = arith.constant 0 : index
    %get3A_0 = memref.load %arg2[%get3A] : memref<4xf32, #tpu.memory_space<smem>>
    %get3A_1 = arith.constant 1 : index
    %get3A_2 = memref.load %arg2[%get3A_1] : memref<4xf32, #tpu.memory_space<smem>>
    %get3A_3 = arith.constant 2 : index
    %get3A_4 = memref.load %arg2[%get3A_3] : memref<4xf32, #tpu.memory_space<smem>>
    %get3A_5 = arith.constant 3 : index
    %get3A_6 = memref.load %arg2[%get3A_5] : memref<4xf32, #tpu.memory_space<smem>>
    %get3A_7 = arith.constant 0 : index
    %get3A_8 = arith.constant 0 : index
    %get3A_9 = arith.constant 0 : index
    %get3A_10 = arith.constant 0 : index
    %get3A_11 = vector.load %arg3[%get3A_7, %get3A_8, %get3A_9, %get3A_10] : memref<1x3x512x512xf32, #tpu.memory_space<vmem>>, vector<1x1x512x512xf32>
    %get3A_12 = vector.shape_cast %get3A_11 : vector<1x1x512x512xf32> to vector<512x512xf32>
    %get3A_13 = arith.constant 0 : index
    %get3A_14 = arith.constant 1 : index
    %get3A_15 = arith.constant 0 : index
    %get3A_16 = arith.constant 0 : index
    %get3A_17 = vector.load %arg3[%get3A_13, %get3A_14, %get3A_15, %get3A_16] : memref<1x3x512x512xf32, #tpu.memory_space<vmem>>, vector<1x1x512x512xf32>
    %get3A_18 = vector.shape_cast %get3A_17 : vector<1x1x512x512xf32> to vector<512x512xf32>
    %get3A_19 = arith.constant 0 : index
    %get3A_20 = arith.constant 2 : index
    %get3A_21 = arith.constant 0 : index
    %get3A_22 = arith.constant 0 : index
    %get3A_23 = vector.load %arg3[%get3A_19, %get3A_20, %get3A_21, %get3A_22] : memref<1x3x512x512xf32, #tpu.memory_space<vmem>>, vector<1x1x512x512xf32>
    %get3A_24 = vector.shape_cast %get3A_23 : vector<1x1x512x512xf32> to vector<512x512xf32>
    %get3A_25 = arith.constant 0 : index
    %get3A_26 = arith.constant 0 : index
    %get3A_27 = arith.constant 0 : index
    %get3A_28 = arith.constant 0 : index
    %get3A_29 = vector.load %arg4[%get3A_25, %get3A_26, %get3A_27, %get3A_28] : memref<1x3x512x512xf32, #tpu.memory_space<vmem>>, vector<1x1x512x512xf32>
    %get3A_30 = vector.shape_cast %get3A_29 : vector<1x1x512x512xf32> to vector<512x512xf32>
    %get3A_31 = arith.constant 0 : index
    %get3A_32 = arith.constant 1 : index
    %get3A_33 = arith.constant 0 : index
    %get3A_34 = arith.constant 0 : index
    %get3A_35 = vector.load %arg4[%get3A_31, %get3A_32, %get3A_33, %get3A_34] : memref<1x3x512x512xf32, #tpu.memory_space<vmem>>, vector<1x1x512x512xf32>
    %get3A_36 = vector.shape_cast %get3A_35 : vector<1x1x512x512xf32> to vector<512x512xf32>
    %get3A_37 = arith.constant 0 : index
    %get3A_38 = arith.constant 2 : index
    %get3A_39 = arith.constant 0 : index
    %get3A_40 = arith.constant 0 : index
    %get3A_41 = vector.load %arg4[%get3A_37, %get3A_38, %get3A_39, %get3A_40] : memref<1x3x512x512xf32, #tpu.memory_space<vmem>>, vector<1x1x512x512xf32>
    %get3A_42 = vector.shape_cast %get3A_41 : vector<1x1x512x512xf32> to vector<512x512xf32>
    %mul3A = vector.broadcast %get3A_0 : f32 to vector<512x512xf32>
    %mul3A_43 = arith.mulf %get3A_12, %mul3A : vector<512x512xf32>
    %mul3A_44 = vector.broadcast %get3A_2 : f32 to vector<512x512xf32>
    %mul3A_45 = arith.mulf %get3A_18, %mul3A_44 : vector<512x512xf32>
    %add3A = arith.addf %mul3A_43, %mul3A_45 : vector<512x512xf32>
    %mul3A_46 = vector.broadcast %get3A_4 : f32 to vector<512x512xf32>
    %mul3A_47 = arith.mulf %get3A_24, %mul3A_46 : vector<512x512xf32>
    %add3A_48 = arith.addf %add3A, %mul3A_47 : vector<512x512xf32>
    %add3A_49 = vector.broadcast %get3A_6 : f32 to vector<512x512xf32>
    %add3A_50 = arith.addf %add3A_48, %add3A_49 : vector<512x512xf32>
    %mul3A_51 = vector.broadcast %get3A_0 : f32 to vector<512x512xf32>
    %mul3A_52 = arith.mulf %get3A_30, %mul3A_51 : vector<512x512xf32>
    %mul3A_53 = vector.broadcast %get3A_2 : f32 to vector<512x512xf32>
    %mul3A_54 = arith.mulf %get3A_36, %mul3A_53 : vector<512x512xf32>
    %add3A_55 = arith.addf %mul3A_52, %mul3A_54 : vector<512x512xf32>
    %mul3A_56 = vector.broadcast %get3A_4 : f32 to vector<512x512xf32>
    %mul3A_57 = arith.mulf %get3A_42, %mul3A_56 : vector<512x512xf32>
    %add3A_58 = arith.addf %add3A_55, %mul3A_57 : vector<512x512xf32>
    %add3A_59 = vector.broadcast %get3A_6 : f32 to vector<512x512xf32>
    %add3A_60 = arith.addf %add3A_58, %add3A_59 : vector<512x512xf32>
    %max3A = arith.constant 0.000000e+00 : f32
    %max3A_61 = vector.broadcast %max3A : f32 to vector<512x512xf32>
    %max3A_62 = arith.maximumf %add3A_50, %max3A_61 : vector<512x512xf32>
    %min3A = arith.constant 6.300000e+01 : f32
    %min3A_63 = vector.broadcast %min3A : f32 to vector<512x512xf32>
    %min3A_64 = arith.minimumf %max3A_62, %min3A_63 : vector<512x512xf32>
    %convert_element_type3A = arith.fptosi %min3A_64 : vector<512x512xf32> to vector<512x512xi32>
    %max3A_65 = arith.constant 0.000000e+00 : f32
    %max3A_66 = vector.broadcast %max3A_65 : f32 to vector<512x512xf32>
    %max3A_67 = arith.maximumf %add3A_60, %max3A_66 : vector<512x512xf32>
    %min3A_68 = arith.constant 6.300000e+01 : f32
    %min3A_69 = vector.broadcast %min3A_68 : f32 to vector<512x512xf32>
    %min3A_70 = arith.minimumf %max3A_67, %min3A_69 : vector<512x512xf32>
    %convert_element_type3A_71 = arith.fptosi %min3A_70 : vector<512x512xf32> to vector<512x512xi32>
    %slice3A = vector.extract_strided_slice %convert_element_type3A {offsets = [0, 0], sizes = [256, 512], strides = [1, 1]} : vector<512x512xi32> to vector<256x512xi32>
    %slice3A_72 = vector.extract_strided_slice %convert_element_type3A {offsets = [256, 0], sizes = [256, 512], strides = [1, 1]} : vector<512x512xi32> to vector<256x512xi32>
    %shift_left3A = arith.constant 16 : i32
    %shift_left3A_73 = vector.broadcast %shift_left3A : i32 to vector<256x512xi32>
    %shift_left3A_74 = arith.shli %slice3A_72, %shift_left3A_73 : vector<256x512xi32>
    %or3A = arith.ori %slice3A, %shift_left3A_74 : vector<256x512xi32>
    %swap3A = arith.constant 0 : index
    %swap3A_75 = arith.constant 0 : index
    %swap3A_76 = arith.constant 0 : index
    %swap3A_77 = vector.load %arg5[%swap3A, %swap3A_75, %swap3A_76] : memref<1x256x512xi32, #tpu.memory_space<vmem>>, vector<1x256x512xi32>
    %swap3A_78 = vector.shape_cast %swap3A_77 : vector<1x256x512xi32> to vector<256x512xi32>
    %swap3A_79 = vector.shape_cast %or3A : vector<256x512xi32> to vector<1x256x512xi32>
    tpu.vector_store %arg5[%swap3A, %swap3A_75, %swap3A_76], %swap3A_79 {strides = array<i32>} : memref<1x256x512xi32, #tpu.memory_space<vmem>>, vector<1x256x512xi32>,
    %slice3A_80 = vector.extract_strided_slice %convert_element_type3A_71 {offsets = [0, 0], sizes = [256, 512], strides = [1, 1]} : vector<512x512xi32> to vector<256x512xi32>
    %slice3A_81 = vector.extract_strided_slice %convert_element_type3A_71 {offsets = [256, 0], sizes = [256, 512], strides = [1, 1]} : vector<512x512xi32> to vector<256x512xi32>
    %shift_left3A_82 = arith.constant 16 : i32
    %shift_left3A_83 = vector.broadcast %shift_left3A_82 : i32 to vector<256x512xi32>
    %shift_left3A_84 = arith.shli %slice3A_81, %shift_left3A_83 : vector<256x512xi32>
    %or3A_85 = arith.ori %slice3A_80, %shift_left3A_84 : vector<256x512xi32>
    %swap3A_86 = arith.constant 0 : index
    %swap3A_87 = arith.constant 0 : index
    %swap3A_88 = arith.constant 0 : index
    %swap3A_89 = vector.load %arg6[%swap3A_86, %swap3A_87, %swap3A_88] : memref<1x256x512xi32, #tpu.memory_space<vmem>>, vector<1x256x512xi32>
    %swap3A_90 = vector.shape_cast %swap3A_89 : vector<1x256x512xi32> to vector<256x512xi32>
    %swap3A_91 = vector.shape_cast %or3A_85 : vector<256x512xi32> to vector<1x256x512xi32>
    tpu.vector_store %arg6[%swap3A_86, %swap3A_87, %swap3A_88], %swap3A_91 {strides = array<i32>} : memref<1x256x512xi32, #tpu.memory_space<vmem>>, vector<1x256x512xi32>,
    %broadcast_in_dim3A = arith.constant 0.000000e+00 : f32
    %broadcast_in_dim3A_92 = vector.broadcast %broadcast_in_dim3A : f32 to vector<1x1xf32>
    %reduce_sum3A = vector.shape_cast %get3A_12 : vector<512x512xf32> to vector<1x512x512xf32>
    %reduce_sum3A_93 = arith.constant dense<0.000000e+00> : vector<1xf32>
    %reduce_sum3A_94 = vector.multi_reduction <add>, %reduce_sum3A, %reduce_sum3A_93 [1, 2] : vector<1x512x512xf32> to vector<1xf32>
    %reduce_sum3A_95 = vector.shape_cast %reduce_sum3A_94 : vector<1xf32> to vector<1x1x1xf32>
    %reduce_sum3A_96 = vector.extract %reduce_sum3A_95[0, 0, 0] : f32 from vector<1x1x1xf32>
    %broadcast_in_dim3A_97 = vector.broadcast %reduce_sum3A_96 : f32 to vector<1x1xf32>
    %reduce_sum3A_98 = vector.shape_cast %get3A_18 : vector<512x512xf32> to vector<1x512x512xf32>
    %reduce_sum3A_99 = arith.constant dense<0.000000e+00> : vector<1xf32>
    %reduce_sum3A_100 = vector.multi_reduction <add>, %reduce_sum3A_98, %reduce_sum3A_99 [1, 2] : vector<1x512x512xf32> to vector<1xf32>
    %reduce_sum3A_101 = vector.shape_cast %reduce_sum3A_100 : vector<1xf32> to vector<1x1x1xf32>
    %reduce_sum3A_102 = vector.extract %reduce_sum3A_101[0, 0, 0] : f32 from vector<1x1x1xf32>
    %broadcast_in_dim3A_103 = vector.broadcast %reduce_sum3A_102 : f32 to vector<1x1xf32>
    %reduce_sum3A_104 = vector.shape_cast %get3A_24 : vector<512x512xf32> to vector<1x512x512xf32>
    %reduce_sum3A_105 = arith.constant dense<0.000000e+00> : vector<1xf32>
    %reduce_sum3A_106 = vector.multi_reduction <add>, %reduce_sum3A_104, %reduce_sum3A_105 [1, 2] : vector<1x512x512xf32> to vector<1xf32>
    %reduce_sum3A_107 = vector.shape_cast %reduce_sum3A_106 : vector<1xf32> to vector<1x1x1xf32>
    %reduce_sum3A_108 = vector.extract %reduce_sum3A_107[0, 0, 0] : f32 from vector<1x1x1xf32>
    %broadcast_in_dim3A_109 = vector.broadcast %reduce_sum3A_108 : f32 to vector<1x1xf32>
    %reduce_sum3A_110 = vector.shape_cast %get3A_30 : vector<512x512xf32> to vector<1x512x512xf32>
    %reduce_sum3A_111 = arith.constant dense<0.000000e+00> : vector<1xf32>
    %reduce_sum3A_112 = vector.multi_reduction <add>, %reduce_sum3A_110, %reduce_sum3A_111 [1, 2] : vector<1x512x512xf32> to vector<1xf32>
    %reduce_sum3A_113 = vector.shape_cast %reduce_sum3A_112 : vector<1xf32> to vector<1x1x1xf32>
    %reduce_sum3A_114 = vector.extract %reduce_sum3A_113[0, 0, 0] : f32 from vector<1x1x1xf32>
    %broadcast_in_dim3A_115 = vector.broadcast %reduce_sum3A_114 : f32 to vector<1x1xf32>
    %reduce_sum3A_116 = vector.shape_cast %get3A_36 : vector<512x512xf32> to vector<1x512x512xf32>
    %reduce_sum3A_117 = arith.constant dense<0.000000e+00> : vector<1xf32>
    %reduce_sum3A_118 = vector.multi_reduction <add>, %reduce_sum3A_116, %reduce_sum3A_117 [1, 2] : vector<1x512x512xf32> to vector<1xf32>
    %reduce_sum3A_119 = vector.shape_cast %reduce_sum3A_118 : vector<1xf32> to vector<1x1x1xf32>
    %reduce_sum3A_120 = vector.extract %reduce_sum3A_119[0, 0, 0] : f32 from vector<1x1x1xf32>
    %broadcast_in_dim3A_121 = vector.broadcast %reduce_sum3A_120 : f32 to vector<1x1xf32>
    %reduce_sum3A_122 = vector.shape_cast %get3A_42 : vector<512x512xf32> to vector<1x512x512xf32>
    %reduce_sum3A_123 = arith.constant dense<0.000000e+00> : vector<1xf32>
    %reduce_sum3A_124 = vector.multi_reduction <add>, %reduce_sum3A_122, %reduce_sum3A_123 [1, 2] : vector<1x512x512xf32> to vector<1xf32>
    %reduce_sum3A_125 = vector.shape_cast %reduce_sum3A_124 : vector<1xf32> to vector<1x1x1xf32>
    %reduce_sum3A_126 = vector.extract %reduce_sum3A_125[0, 0, 0] : f32 from vector<1x1x1xf32>
    %broadcast_in_dim3A_127 = vector.broadcast %reduce_sum3A_126 : f32 to vector<1x1xf32>
    %concatenate3A = tpu.concatenate %broadcast_in_dim3A_97, %broadcast_in_dim3A_103, %broadcast_in_dim3A_109, %broadcast_in_dim3A_115, %broadcast_in_dim3A_121, %broadcast_in_dim3A_127, %broadcast_in_dim3A_92, %broadcast_in_dim3A_92 in 1 : vector<1x1xf32>, vector<1x1xf32>, vector<1x1xf32>, vector<1x1xf32>, vector<1x1xf32>, vector<1x1xf32>, vector<1x1xf32>, vector<1x1xf32> -> vector<1x8xf32>
    %reshape3A = vector.shape_cast %concatenate3A : vector<1x8xf32> to vector<1x1x8xf32>
    %eq3A = arith.constant 0 : i32
    %eq3A_128 = arith.cmpi eq, %arg1, %eq3A : i32
    %convert_element_type3A_129 = arith.extui %eq3A_128 : i1 to i32
    %cond3A = arith.constant 0 : i32
    %cond3A_130 = arith.cmpi ne, %convert_element_type3A_129, %cond3A : i32
    scf.if %cond3A_130 {
      %swap3A_135 = arith.constant 0 : index
      %swap3A_136 = arith.constant 0 : index
      %swap3A_137 = arith.constant 0 : index
      %swap3A_138 = vector.load %arg7[%swap3A_135, %swap3A_136, %swap3A_137] : memref<1x1x8xf32, #tpu.memory_space<vmem>>, vector<1x1x8xf32>
      tpu.vector_store %arg7[%swap3A_135, %swap3A_136, %swap3A_137], %reshape3A {strides = array<i32>} : memref<1x1x8xf32, #tpu.memory_space<vmem>>, vector<1x1x8xf32>,
    } else {
    }
    %gt3A = arith.constant 0 : i32
    %gt3A_131 = arith.cmpi sgt, %arg1, %gt3A : i32
    %convert_element_type3A_132 = arith.extui %gt3A_131 : i1 to i32
    %cond3A_133 = arith.constant 0 : i32
    %cond3A_134 = arith.cmpi ne, %convert_element_type3A_132, %cond3A_133 : i32
    scf.if %cond3A_134 {
      %get3A_135 = arith.constant 0 : index
      %get3A_136 = arith.constant 0 : index
      %get3A_137 = arith.constant 0 : index
      %get3A_138 = vector.load %arg7[%get3A_135, %get3A_136, %get3A_137] : memref<1x1x8xf32, #tpu.memory_space<vmem>>, vector<1x1x8xf32>
      %add3A_139 = arith.addf %get3A_138, %reshape3A : vector<1x1x8xf32>
      %swap3A_140 = arith.constant 0 : index
      %swap3A_141 = arith.constant 0 : index
      %swap3A_142 = arith.constant 0 : index
      %swap3A_143 = vector.load %arg7[%swap3A_140, %swap3A_141, %swap3A_142] : memref<1x1x8xf32, #tpu.memory_space<vmem>>, vector<1x1x8xf32>
      tpu.vector_store %arg7[%swap3A_140, %swap3A_141, %swap3A_142], %add3A_139 {strides = array<i32>} : memref<1x1x8xf32, #tpu.memory_space<vmem>>, vector<1x1x8xf32>,
    } else {
    }
    return
  }
  func.func @transform_0(%arg0: i32, %arg1: i32) -> i32 {
    %c0_i32 = arith.constant 0 : i32
    %c0_i32_0 = arith.constant 0 : i32
    return %c0_i32 : i32
  }
  func.func @transform_1(%arg0: i32, %arg1: i32) -> (i32, i32, i32, i32) {
    %c0_i32 = arith.constant 0 : i32
    %c0_i32_0 = arith.constant 0 : i32
    %c0_i32_1 = arith.constant 0 : i32
    return %arg0, %c0_i32, %arg1, %c0_i32_0 : i32, i32, i32, i32
  }
  func.func @transform_2(%arg0: i32, %arg1: i32) -> (i32, i32, i32, i32) {
    %c0_i32 = arith.constant 0 : i32
    %c0_i32_0 = arith.constant 0 : i32
    %c0_i32_1 = arith.constant 0 : i32
    return %arg0, %c0_i32, %arg1, %c0_i32_0 : i32, i32, i32, i32
  }
  func.func @transform_3(%arg0: i32, %arg1: i32) -> (i32, i32, i32) {
    %c0_i32 = arith.constant 0 : i32
    %c0_i32_0 = arith.constant 0 : i32
    return %arg0, %arg1, %c0_i32 : i32, i32, i32
  }
  func.func @transform_4(%arg0: i32, %arg1: i32) -> (i32, i32, i32) {
    %c0_i32 = arith.constant 0 : i32
    %c0_i32_0 = arith.constant 0 : i32
    return %arg0, %arg1, %c0_i32 : i32, i32, i32
  }
  func.func @transform_5(%arg0: i32, %arg1: i32) -> (i32, i32, i32) {
    %c0_i32 = arith.constant 0 : i32
    %c0_i32_0 = arith.constant 0 : i32
    %c0_i32_1 = arith.constant 0 : i32
    return %arg0, %c0_i32, %c0_i32_0 : i32, i32, i32
  }
}

module attributes {stable_mosaic.version = 14 : i64} {
  func.func @_tc_final_body(%arg0: memref<32x64x16xf32, #tpu.memory_space<vmem>>, %arg1: memref<32x64x16xf32, #tpu.memory_space<vmem>>, %arg2: memref<32x8xf32, #tpu.memory_space<vmem>>, %arg3: memref<1x1xf32, #tpu.memory_space<vmem>>) attributes {dimension_semantics = [], scalar_prefetch = 0 : i64, scratch_operands = 0 : i64, tpu.core_type = #tpu.core_type<tc>} {
    %get3A = arith.constant 0 : index
    %get3A_0 = arith.constant 0 : index
    %get3A_1 = arith.constant 0 : index
    %get3A_2 = vector.load %arg0[%get3A, %get3A_0, %get3A_1] : memref<32x64x16xf32, #tpu.memory_space<vmem>>, vector<32x64x16xf32>
    %reduce_sum3A = arith.constant dense<0.000000e+00> : vector<32x64xf32>
    %reduce_sum3A_3 = vector.multi_reduction <add>, %get3A_2, %reduce_sum3A [2] : vector<32x64x16xf32> to vector<32x64xf32>
    %mul3A = arith.constant 2.000000e+00 : f32
    %mul3A_4 = vector.broadcast %mul3A : f32 to vector<32x64xf32>
    %mul3A_5 = arith.mulf %mul3A_4, %reduce_sum3A_3 : vector<32x64xf32>
    %get3A_6 = arith.constant 0 : index
    %get3A_7 = arith.constant 0 : index
    %get3A_8 = arith.constant 0 : index
    %get3A_9 = vector.load %arg1[%get3A_6, %get3A_7, %get3A_8] : memref<32x64x16xf32, #tpu.memory_space<vmem>>, vector<32x64x16xf32>
    %reduce_sum3A_10 = arith.constant dense<0.000000e+00> : vector<32x64xf32>
    %reduce_sum3A_11 = vector.multi_reduction <add>, %get3A_9, %reduce_sum3A_10 [2] : vector<32x64x16xf32> to vector<32x64xf32>
    %mul3A_12 = arith.constant 2.000000e+00 : f32
    %mul3A_13 = vector.broadcast %mul3A_12 : f32 to vector<32x64xf32>
    %mul3A_14 = arith.mulf %mul3A_13, %reduce_sum3A_11 : vector<32x64xf32>
    %get3A_15 = arith.constant 0 : index
    %get3A_16 = arith.constant 0 : index
    %get3A_17 = vector.load %arg2[%get3A_15, %get3A_16] : memref<32x8xf32, #tpu.memory_space<vmem>>, vector<32x8xf32>
    %mul3A_18 = arith.constant 3.81469727E-6 : f32
    %mul3A_19 = vector.broadcast %mul3A_18 : f32 to vector<32x8xf32>
    %mul3A_20 = arith.mulf %get3A_17, %mul3A_19 : vector<32x8xf32>
    %add3A = arith.constant 1.000000e+00 : f32
    %add3A_21 = vector.broadcast %add3A : f32 to vector<32x8xf32>
    %add3A_22 = arith.addf %mul3A_20, %add3A_21 : vector<32x8xf32>
    %mul3A_23 = arith.constant 5.000000e-01 : f32
    %mul3A_24 = vector.broadcast %mul3A_23 : f32 to vector<32x8xf32>
    %mul3A_25 = arith.mulf %add3A_22, %mul3A_24 : vector<32x8xf32>
    %slice3A = vector.extract_strided_slice %mul3A_25 {offsets = [0, 0], sizes = [32, 3], strides = [1, 1]} : vector<32x8xf32> to vector<32x3xf32>
    %slice3A_26 = vector.extract_strided_slice %mul3A_25 {offsets = [0, 3], sizes = [32, 3], strides = [1, 1]} : vector<32x8xf32> to vector<32x3xf32>
    %slice3A_27 = vector.extract_strided_slice %slice3A {offsets = [0, 0], sizes = [32, 1], strides = [1, 1]} : vector<32x3xf32> to vector<32x1xf32>
    %slice3A_28 = vector.extract_strided_slice %slice3A {offsets = [0, 1], sizes = [32, 1], strides = [1, 1]} : vector<32x3xf32> to vector<32x1xf32>
    %slice3A_29 = vector.extract_strided_slice %slice3A {offsets = [0, 2], sizes = [32, 1], strides = [1, 1]} : vector<32x3xf32> to vector<32x1xf32>
    %sub3A = arith.subf %slice3A_27, %slice3A_28 : vector<32x1xf32>
    %abs3A = math.absf %sub3A : vector<32x1xf32>
    %sub3A_30 = arith.subf %slice3A_28, %slice3A_29 : vector<32x1xf32>
    %abs3A_31 = math.absf %sub3A_30 : vector<32x1xf32>
    %add3A_32 = arith.addf %abs3A, %abs3A_31 : vector<32x1xf32>
    %sub3A_33 = arith.subf %slice3A_29, %slice3A_27 : vector<32x1xf32>
    %abs3A_34 = math.absf %sub3A_33 : vector<32x1xf32>
    %add3A_35 = arith.addf %add3A_32, %abs3A_34 : vector<32x1xf32>
    %reduce_sum3A_36 = vector.shape_cast %add3A_35 : vector<32x1xf32> to vector<1x32x1xf32>
    %reduce_sum3A_37 = arith.constant dense<0.000000e+00> : vector<1xf32>
    %reduce_sum3A_38 = vector.multi_reduction <add>, %reduce_sum3A_36, %reduce_sum3A_37 [1, 2] : vector<1x32x1xf32> to vector<1xf32>
    %reduce_sum3A_39 = vector.shape_cast %reduce_sum3A_38 : vector<1xf32> to vector<1x1x1xf32>
    %reduce_sum3A_40 = vector.extract %reduce_sum3A_39[0, 0, 0] : f32 from vector<1x1x1xf32>
    %div3A = arith.constant 3.200000e+01 : f32
    %div3A_41 = arith.divf %reduce_sum3A_40, %div3A : f32
    %reduce_sum3A_42 = arith.constant dense<0.000000e+00> : vector<32xf32>
    %reduce_sum3A_43 = vector.multi_reduction <add>, %slice3A, %reduce_sum3A_42 [1] : vector<32x3xf32> to vector<32xf32>
    %broadcast_in_dim3A = vector.shape_cast %reduce_sum3A_43 : vector<32xf32> to vector<32x1xf32>
    %add3A_44 = arith.constant 9.99999997E-7 : f32
    %add3A_45 = vector.broadcast %add3A_44 : f32 to vector<32x1xf32>
    %add3A_46 = arith.addf %broadcast_in_dim3A, %add3A_45 : vector<32x1xf32>
    %div3A_47 = vector.broadcast %add3A_46 : vector<32x1xf32> to vector<32x3xf32>
    %div3A_48 = arith.divf %slice3A, %div3A_47 : vector<32x3xf32>
    %reduce_sum3A_49 = arith.constant dense<0.000000e+00> : vector<32xf32>
    %reduce_sum3A_50 = vector.multi_reduction <add>, %slice3A_26, %reduce_sum3A_49 [1] : vector<32x3xf32> to vector<32xf32>
    %broadcast_in_dim3A_51 = vector.shape_cast %reduce_sum3A_50 : vector<32xf32> to vector<32x1xf32>
    %add3A_52 = arith.constant 9.99999997E-7 : f32
    %add3A_53 = vector.broadcast %add3A_52 : f32 to vector<32x1xf32>
    %add3A_54 = arith.addf %broadcast_in_dim3A_51, %add3A_53 : vector<32x1xf32>
    %div3A_55 = vector.broadcast %add3A_54 : vector<32x1xf32> to vector<32x3xf32>
    %div3A_56 = arith.divf %slice3A_26, %div3A_55 : vector<32x3xf32>
    %sub3A_57 = arith.subf %div3A_48, %div3A_56 : vector<32x3xf32>
    %abs3A_58 = math.absf %sub3A_57 : vector<32x3xf32>
    %reduce_sum3A_59 = vector.shape_cast %abs3A_58 : vector<32x3xf32> to vector<1x32x3xf32>
    %reduce_sum3A_60 = arith.constant dense<0.000000e+00> : vector<1xf32>
    %reduce_sum3A_61 = vector.multi_reduction <add>, %reduce_sum3A_59, %reduce_sum3A_60 [1, 2] : vector<1x32x3xf32> to vector<1xf32>
    %reduce_sum3A_62 = vector.shape_cast %reduce_sum3A_61 : vector<1xf32> to vector<1x1x1xf32>
    %reduce_sum3A_63 = vector.extract %reduce_sum3A_62[0, 0, 0] : f32 from vector<1x1x1xf32>
    %div3A_64 = arith.constant 9.600000e+01 : f32
    %div3A_65 = arith.divf %reduce_sum3A_63, %div3A_64 : f32
    %log3A = math.log %mul3A_5 : vector<32x64xf32>
    %gt3A = arith.constant 0.000000e+00 : f32
    %gt3A_66 = vector.broadcast %gt3A : f32 to vector<32x64xf32>
    %gt3A_67 = arith.cmpf ogt, %mul3A_14, %gt3A_66 : vector<32x64xf32>
    %gt3A_68 = arith.constant 0.000000e+00 : f32
    %gt3A_69 = vector.broadcast %gt3A_68 : f32 to vector<32x64xf32>
    %gt3A_70 = arith.cmpf ogt, %mul3A_14, %gt3A_69 : vector<32x64xf32>
    %jit3A = arith.constant 1.000000e+00 : f32
    %broadcast_in_dim3A_71 = vector.broadcast %jit3A : f32 to vector<32x64xf32>
    %select_n3A = arith.select %gt3A_70, %mul3A_14, %broadcast_in_dim3A_71 : vector<32x64xi1>, vector<32x64xf32>
    %log3A_72 = math.log %select_n3A : vector<32x64xf32>
    %sub3A_73 = arith.subf %log3A_72, %log3A : vector<32x64xf32>
    %mul3A_74 = arith.mulf %mul3A_14, %sub3A_73 : vector<32x64xf32>
    %jit3A_75 = arith.constant 0.000000e+00 : f32
    %broadcast_in_dim3A_76 = vector.broadcast %jit3A_75 : f32 to vector<32x64xf32>
    %select_n3A_77 = arith.select %gt3A_67, %mul3A_74, %broadcast_in_dim3A_76 : vector<32x64xi1>, vector<32x64xf32>
    %reduce_sum3A_78 = vector.shape_cast %select_n3A_77 : vector<32x64xf32> to vector<1x32x64xf32>
    %reduce_sum3A_79 = arith.constant dense<0.000000e+00> : vector<1xf32>
    %reduce_sum3A_80 = vector.multi_reduction <add>, %reduce_sum3A_78, %reduce_sum3A_79 [1, 2] : vector<1x32x64xf32> to vector<1xf32>
    %reduce_sum3A_81 = vector.shape_cast %reduce_sum3A_80 : vector<1xf32> to vector<1x1x1xf32>
    %reduce_sum3A_82 = vector.extract %reduce_sum3A_81[0, 0, 0] : f32 from vector<1x1x1xf32>
    %div3A_83 = arith.constant 3.200000e+01 : f32
    %div3A_84 = arith.divf %reduce_sum3A_82, %div3A_83 : f32
    %add3A_85 = arith.addf %div3A_41, %div3A_65 : f32
    %add3A_86 = arith.addf %add3A_85, %div3A_84 : f32
    %mul3A_87 = arith.constant 1.000000e+01 : f32
    %mul3A_88 = arith.mulf %mul3A_87, %add3A_86 : f32
    %broadcast_in_dim3A_89 = vector.broadcast %mul3A_88 : f32 to vector<1x1xf32>
    %swap3A = arith.constant 0 : index
    %swap3A_90 = arith.constant 0 : index
    %swap3A_91 = vector.load %arg3[%swap3A, %swap3A_90] : memref<1x1xf32, #tpu.memory_space<vmem>>, vector<1x1xf32>
    tpu.vector_store %arg3[%swap3A, %swap3A_90], %broadcast_in_dim3A_89 {strides = array<i32>} : memref<1x1xf32, #tpu.memory_space<vmem>>, vector<1x1xf32>,
    return
  }
}

</mosaic_0001>

<sc_bundles>
// kernel: cc_hist_sc.3.cloned.1.call-start
scs
__scs_entry_jumppad:
0x0: {  	(pc) =	sbr.rel $0x88, $3  }
0x1: {  	(tag) =	ssettag $0x0;
	lr =	simm.s32 $0x1  }
0x2: {  	[smem:$0x3F9D] =	sst lr;
	_ =	strace $0xD0000000  }
0x3: {  	_ = 	snop  }
0x4: {  	_ = 	snop  }
0x5: {  	_ = 	snop  }
0x6: {  	_ = 	snop  }
0x7: {  	_ = 	snop  }
__scs_overlays_trampoline_lowered:
0x8: {  	[smem:$0x3FAC] =	sst s0  }
0x9: {  	[smem:$0x3FAD] =	sst s1  }
0xa: {  	[smem:$0x3FAE] =	sst s2  }
0xb: {  	[smem:$0x3FAF] =	sst s3  }
0xc: {  	[smem:$0x3FB0] =	sst s4  }
0xd: {  	[smem:$0x3FB1] =	sst s5  }
0xe: {  	[smem:$0x3FB2] =	sst s6  }
0xf: {  	[smem:$0x3FB3] =	sst s7  }
0x10: {  	[smem:$0x3FB4] =	sst s8  }
0x11: {  	[smem:$0x3FB5] =	sst s9;
	s0 =	simm.s32 @!p0 $0x0  }
0x12: {  	s1 =	sld [smem:$0x3F9B];
	s0 =	simm.s32 @p0 $0x1  }
0x13: {  	[smem:$0x3FB6] =	sst s0;
	s0 =	simm.s32 @!p1 $0x0  }
0x14: {  	s2 =	sld [smem:$0x3F9A];
	s0 =	simm.s32 @p1 $0x1  }
0x15: {  	[smem:$0x3FB7] =	sst s0;
	s0 =	simm.s32 @!p2 $0x0  }
0x16: {  	s3 =	sld [smem:$0x3FDB];
	s0 =	simm.s32 @p2 $0x1  }
0x17: {  	s4 =	simm.s32 $0x1BF5;
	[smem:$0x3FB9] =	sst s0  }
0x18: {  	s0 =	sld [smem:$0x3F9C];
	_ =	swait.ge [sflag:s4], $0x0  }
0x19: {  	s7 =	sld [smem:$0x3F9D]  }
0x1a: {  	s8 =	sadd.s32 $0xFFFFE003, lr  }
0x1b: {  	s9 =	sadd.s32 $0xFFFFFEF7, lr;
	s5 =	simm.s32 $0xFFFFFFFF;
	p2 =	slt.u32 s8, $0xFFFFF086  }
0x1c: {  	p1 =	slt.u32 s9, $0xF7A;
	s5 =	simm.s32 @!p2 $0x0  }
0x1d: {  	s5 =	simm.s32 @p1 $0x1;
	p0 =	seq.s32 s7, s2  }
0x1e: {  	s7 =	smul.u32 @!p0 $0xF7A, s2;
	p2 =	seq.s32 @!p0 s5, $0x0  }
0x1f: {  	s9 =	smul.u32 $0xF7A, s1;
	s8 =	simm.s32 @!p0 $0x1BF5;
	p2 =	por !p2, p0  }
0x20: {  	[sflag:s8] =	ssyncset.s32 @!p0 $0xFFFFF086;
	s6 =	sadd.s32 @!p0 s3, s7;
	s7 =	simm.s32 @!p0 $0x108  }
0x21: {  	s3 =	sadd.s32 s3, s9;
	s6 =	sadd.s32 @!p0 $0x88, s6;
	s7 =	simm.s32 @p2 $0x1082  }
0x22: {  	[simem:s7], [sflag:s8] =	dma.local @!p0 [hbm:s6], $0xF7A  }
0x23: {  	s9 =	sor.u32 $0xD0000000, s2;
	s6 =	simm.s32 $0x108;
	_ =	swait.ge @!p0 [sflag:s8], $0x0  }
0x24: {  	s3 =	sadd.s32 $0x88, s3;
	s6 =	simm.s32 @!p1 $0x1082;
	[sflag:s4] =	ssyncset.s32 $0xFFFFF086  }
0x25: {  	[simem:s6], [sflag:s4] =	dma.local [hbm:s3], $0xF7A  }
0x26: {  	[smem:$0x3F9D] =	sst s1;
	(tag) =	ssettag s2;
	_ =	strace s9  }
0x27: {  	s1 =	sld [smem:$0x3FAD]  }
0x28: {  	s2 =	sld [smem:$0x3FAE]  }
0x29: {  	s4 =	sld [smem:$0x3FB0]  }
0x2a: {  	p0 =	seq.s32 s5, $0x0;
	s5 =	sld [smem:$0x3FB1]  }
0x2b: {  	s6 =	sld [smem:$0x3FB2]  }
0x2c: {  	s7 =	sld [smem:$0x3FB3]  }
0x2d: {  	s3 =	simm.s32 $0x108;
	s8 =	sld [smem:$0x3FB4]  }
0x2e: {  	s3 =	simm.s32 @!p0 $0x1082;
	s9 =	sld [smem:$0x3FB5]  }
0x2f: {  	lr =	sadd.s32 s0, s3;
	s0 =	sld [smem:$0x3FAC]  }
0x30: {  	s3 =	sld [smem:$0x3FAF]  }
0x31: {  	[smem:$0x3FB8] =	sst s10  }
0x32: {  	s10 =	sld [smem:$0x3FB6];
	_ =	sdelay $0x3  }
0x33: {  	p0 =	seq.s32 s10, $0x1;
	s10 =	sld [smem:$0x3FB8];
	_ =	sdelay $0x3  }
0x34: {  	[smem:$0x3FB8] =	sst s10  }
0x35: {  	s10 =	sld [smem:$0x3FB7];
	_ =	sdelay $0x3  }
0x36: {  	p1 =	seq.s32 s10, $0x1;
	s10 =	sld [smem:$0x3FB8];
	_ =	sdelay $0x3  }
0x37: {  	[smem:$0x3FB8] =	sst s10  }
0x38: {  	s10 =	sld [smem:$0x3FB9]  }
0x39: {  	_ = 	snop;
	(pc) =	sbr.ind lr, $3  }
0x3a: {  	_ = 	snop  }
0x3b: {  	_ = 	snop  }
0x3c: {  	p2 =	seq.s32 s10, $0x1;
	s10 =	sld [smem:$0x3FB8]  }
0x3d: {  	_ =	shalt  }
0x3e: {  	_ =	shalt  }
0x3f: {  	_ =	shalt  }
0x40: {  	_ =	shalt  }
0x41: {  	_ =	shalt  }
0x42: {  	_ =	shalt  }
0x43: {  	_ =	shalt  }
0x44: {  	_ =	shalt  }
0x45: {  	_ =	shalt  }
0x46: {  	_ =	shalt  }
0x47: {  	_ =	shalt  }
0x48: {  	_ =	shalt  }
0x49: {  	_ =	shalt  }
0x4a: {  	_ =	shalt  }
0x4b: {  	_ =	shalt  }
0x4c: {  	_ =	shalt  }
0x4d: {  	_ =	shalt  }
0x4e: {  	_ =	shalt  }
0x4f: {  	_ =	shalt  }
0x50: {  	_ =	shalt  }
0x51: {  	_ =	shalt  }
0x52: {  	_ =	shalt  }
0x53: {  	_ =	shalt  }
0x54: {  	_ =	shalt  }
0x55: {  	_ =	shalt  }
0x56: {  	_ =	shalt  }
0x57: {  	_ =	shalt  }
0x58: {  	_ =	shalt  }
0x59: {  	_ =	shalt  }
0x5a: {  	_ =	shalt  }
0x5b: {  	_ =	shalt  }
0x5c: {  	_ =	shalt  }
0x5d: {  	_ =	shalt  }
0x5e: {  	_ =	shalt  }
0x5f: {  	_ =	shalt  }
0x60: {  	_ =	shalt  }
0x61: {  	_ =	shalt  }
0x62: {  	_ =	shalt  }
0x63: {  	_ =	shalt  }
0x64: {  	_ =	shalt  }
0x65: {  	_ =	shalt  }
0x66: {  	_ =	shalt  }
0x67: {  	_ =	shalt  }
0x68: {  	_ =	shalt  }
0x69: {  	_ =	shalt  }
0x6a: {  	_ =	shalt  }
0x6b: {  	_ =	shalt  }
0x6c: {  	_ =	shalt  }
0x6d: {  	_ =	shalt  }
0x6e: {  	_ =	shalt  }
0x6f: {  	_ =	shalt  }
0x70: {  	_ =	shalt  }
0x71: {  	_ =	shalt  }
0x72: {  	_ =	shalt  }
0x73: {  	_ =	shalt  }
0x74: {  	_ =	shalt  }
0x75: {  	_ =	shalt  }
0x76: {  	_ =	shalt  }
0x77: {  	_ =	shalt  }
0x78: {  	_ =	shalt  }
0x79: {  	_ =	shalt  }
0x7a: {  	_ =	shalt  }
0x7b: {  	_ =	shalt  }
0x7c: {  	_ =	shalt  }
0x7d: {  	_ =	shalt  }
0x7e: {  	_ =	shalt  }
0x7f: {  	_ =	shalt  }
0x80: {  	_ =	shalt  }
0x81: {  	_ =	shalt  }
0x82: {  	_ =	shalt  }
0x83: {  	_ =	shalt  }
0x84: {  	_ =	shalt  }
0x85: {  	_ =	shalt  }
0x86: {  	_ =	shalt  }
0x87: {  	_ =	shalt  }
.Lfunc_end0:
.L_simem_size_0:
called_computation_lowered:
.L_overlay_start_0:
0x88: {  	s2 =	sld [smem:$0x3FD9]  }
0x89: {  	s3 =	sld [smem:$0x3FFE];
	_ =	sdelay $0x1  }
0x8a: {  	s1 =	srdreg.scid  }
0x8b: {  	s0 =	sand.u32 $0x1, s1  }
0x8c: {  	s16 =	sshll.u32 s0, $0xA;
	s2 =	sadd.s32 s3, s2  }
0x8d: {  	s2 =	sadd.s32 s2, s16  }
0x8e: {  	[smem:$0x3FC4] =	sst s2  }
0x8f: {  	_ = 	snop  }
0x90: {  	(tm) =	ssettm $0x1  }
0x91: {  	s17 =	sld [smem:$0x3FFB];
	_ =	sdelay $0x3  }
0x92: {  	_ =	strace s17  }
0x93: {  	s2 =	sld [smem:$0x3FFC];
	_ =	sdelay $0x3  }
0x94: {  	_ =	strace s2  }
0x95: {  	s2 =	sld [smem:$0x3FFD];
	_ =	sdelay $0x3  }
0x96: {  	_ =	strace s2  }
0x97: {  	_ =	strace $0x8FFFFFFF  }
0x98: {  	s18 =	sld [smem:$0x3FDB];
	_ =	sdelay $0x1  }
0x99: {  	s19 =	simm.s32 $_scs_section_size  }
0x9a: {  	s4 =	simm.s32 $_size__tile_overlayer_lowered;
	s5 =	simm.s32 $_tile_overlayer_lowered  }
0x9b: {  	s22 =	simm.s32 $0x1BFF;
	s21 =	sshll.u32 s5, $0x1;
	s2 =	sadd.s32 s19, s18  }
0x9c: {  	s6 =	simm.s32 $0x0;
	s20 =	sshll.u32 s4, $0x1;
	s4 =	sadd.s32 s21, s2  }
0x9d: {  	[timem:s6], [sflag:s22] =	dma.local [hbm:s4], s20  }
0x9e: {  	_ =	swait.ge [sflag:s22], s20  }
0x9f: {  	s3 =	ssub.s32 $0x0, s20;
	[sflag:s22] =	ssyncset.done $0x0  }
0xa0: {  	[sflag:s22] =	ssyncadd.s32 s3;
	_ =	sdelay $0x1  }
0xa1: {  	s23 =	simm.s32 $0x1B8B  }
0xa2: {  	_ =	swait.ge [sflag:s23], $0x1  }
0xa3: {  	[sflag:s23] =	ssyncset.done $0x0  }
0xa4: {  	s25 =	simm.s32 $0x1B8E;
	s24 =	sld [smem:$0x3FFE];
	[sflag:s23] =	ssyncadd.s32 $0xFFFFFFFF  }
0xa5: {  	s26 =	simm.s32 $execute0_lowered;
	[smem:$0x3FD2] =	sst s25  }
0xa6: {  	s4 =	sshll.u32 s26, $0x1;
	_ =	strace $0x80000046;
	[dreg:$0x1] =	wrdreg $0xFFFFFFFF  }
0xa7: {  	s28 =	simm.s32 $_size_execute0_lowered;
	s2 =	sadd.s32 s2, s4;
	[dreg:$0x0] =	wrdreg $0x0  }
0xa8: {  	s4 =	sshll.u32 s28, $0x1;
	[dreg:$0x2] =	wrdreg s2  }
0xa9: {  	[dreg:$0x3] =	wrdreg s4  }
0xaa: {  	[dreg:$0x4] =	wrdreg $0xC0  }
0xab: {  	_ =	task [dreg:s6], $0x5FFFF  }
0xac: {  	[dreg:$0x1] =	wrdreg $0xFFFFFFFF  }
0xad: {  	[dreg:$0x0] =	wrdreg $0x60  }
0xae: {  	[dreg:$0x2] =	wrdreg s24  }
0xaf: {  	[dreg:$0x3] =	wrdreg $0x9  }
0xb0: {  	_ =	task.clear_ibuf [dreg:s6], $0x4FFFF;
	_ =	strace $0x90000046  }
0xb1: {  	s29 =	simm.s32 $0x9;
	_ =	strace $0x80000048  }
0xb2: {  	_ =	swait.ge [sflag:s29], $0x1  }
0xb3: {  	[sflag:s29] =	ssyncadd.s32 $0xFFFFFFFF  }
0xb4: {  	_ =	strace $0x90000048  }
0xb5: {  	_ =	sfence  }
0xb6: {  	s30 =	sld [smem:$0x0];
	_ =	sdelay $0x2  }
0xb7: {  	s31 =	sshll.u32 s1, $0xD;
	s1 =	sshrl.u32 s1, $0x2  }
0xb8: {  	s3 =	sand.u32 $0x4000, s31;
	s1 =	sadd.s32 s1, s30  }
0xb9: {  	s0 =	sor.u32 s3, s0;
	s1 =	sshll.u32 s1, $0x11  }
0xba: {  	s0 =	sor.u32 s1, s0  }
0xbb: {  	s0 =	sadd.s32 $0x8F2B, s0  }
0xbc: {  	[sflag:s0] =	ssyncadd.remote.s32 $0x1  }
0xbd: {  	_ =	sfence.sel $0xFFFF  }
0xbe: {  	[dreg:$0x0] =	wrdreg $0xFFFFFFFF;
	(pc) =	sbr.abs _section_cstart, $3  }
0xbf: {  	[dreg:$0x1] =	wrdreg $0xFFFFFFFF  }
0xc0: {  	_ =	task.clear_ibuf [dreg:s6], $0x2FFFF;
	_ =	strace $0x9FFFFFFF  }
0xc1: {  	(tm) =	ssettm $0x7FFFFFFF  }
tec
execute0_lowered:
.L_overlay_start_1:
0x0: {  	(tag) =	ssettag $0x1  }
0x1: {  	s5 =	rddreg [dreg:$0x0]  }
0x2: {  	s1 =	srdreg.scid;
	s0 =	rddreg [dreg:$0x1];
	s2 =	simm.s32 $0x0  }
0x3: {  	s12 =	simm.s32 $0x4000;
	s13 =	simm.s32 $0x2000;
	s14 =	simm.s32 $0x6000  }
0x4: {  	s15 =	simm.s32 $0x1;
	s16 =	simm.s32 $0x8000;
	s17 =	simm.s32 $0x8400  }
0x5: {  	s18 =	simm.s32 $0x2;
	s19 =	simm.s32 $0x3;
	s20 =	simm.s32 $0x0  }
0x6: {  	s4 =	sand.u32 $0x1, s1;
	[smem:$0x7FF] =	sst s2;
	s1 =	stileid.u32  }
0x7: {  	s3 =	sshll.u32 s4, $0x4;
	_ =	strace $0x80000047;
	s8 =	ssub.s32 $0x2, s4  }
0x8: {  	s4 =	sadd.s32 $0x100A00, s5;
	s6 =	sor.u32 s1, s3;
	s30 =	sshrl.u32 s8, $0x1  }
0x9: {  	s3 =	sadd.s32 $0x80A00, s5;
	s7 =	sshll.u32 s6, $0x7;
	s11 =	ssub.s32 s8, s30  }
0xa: {  	s31 =	sshll.u32 s6, $0xE;
	s10 =	sadd.s32 s7, s5;
	s5 =	sshll.u32 s6, $0x11  }
0xb: {  	s6 =	sadd.s32 s3, s31;
	s7 =	sadd.s32 s4, s31;
	s11 =	smax.u32 s11, $0x1  }
0xc: {  	v0 =	vimm.f32 $0.0e+00;
	v1 =	vlaneseq.u32;
	v2 =	vimm.f32 $1.000000000e+00;
	s8 =	sor.u32 $0x4000, s5;
	s9 =	sadd.s32 $0xA00, s10;
	s10 =	sadd.s32 $0x1A00, s10  }
.LBB2_1:
0xd: {  	[tilespmem:$0x8000] =	vst v0  }
0xe: {  	[tilespmem:$0x8400] =	vst v0  }
0xf: {  	[tilespmem:$0x8010] =	vst v0  }
0x10: {  	[tilespmem:$0x8410] =	vst v0  }
0x11: {  	[tilespmem:$0x8020] =	vst v0  }
0x12: {  	[tilespmem:$0x8420] =	vst v0  }
0x13: {  	[tilespmem:$0x8030] =	vst v0  }
0x14: {  	[tilespmem:$0x8430] =	vst v0  }
0x15: {  	[tilespmem:$0x8040] =	vst v0  }
0x16: {  	[tilespmem:$0x8440] =	vst v0  }
0x17: {  	[tilespmem:$0x8050] =	vst v0  }
0x18: {  	[tilespmem:$0x8450] =	vst v0  }
0x19: {  	[tilespmem:$0x8060] =	vst v0  }
0x1a: {  	[tilespmem:$0x8460] =	vst v0  }
0x1b: {  	[tilespmem:$0x8070] =	vst v0  }
0x1c: {  	[tilespmem:$0x8470] =	vst v0  }
0x1d: {  	[tilespmem:$0x8080] =	vst v0  }
0x1e: {  	[tilespmem:$0x8480] =	vst v0  }
0x1f: {  	[tilespmem:$0x8090] =	vst v0  }
0x20: {  	[tilespmem:$0x8490] =	vst v0  }
0x21: {  	[tilespmem:$0x80A0] =	vst v0  }
0x22: {  	[tilespmem:$0x84A0] =	vst v0  }
0x23: {  	[tilespmem:$0x80B0] =	vst v0  }
0x24: {  	[tilespmem:$0x84B0] =	vst v0  }
0x25: {  	[tilespmem:$0x80C0] =	vst v0  }
0x26: {  	[tilespmem:$0x84C0] =	vst v0  }
0x27: {  	[tilespmem:$0x80D0] =	vst v0  }
0x28: {  	[tilespmem:$0x84D0] =	vst v0  }
0x29: {  	[tilespmem:$0x80E0] =	vst v0  }
0x2a: {  	[tilespmem:$0x84E0] =	vst v0  }
0x2b: {  	[tilespmem:$0x80F0] =	vst v0  }
0x2c: {  	[tilespmem:$0x84F0] =	vst v0  }
0x2d: {  	[tilespmem:$0x8100] =	vst v0  }
0x2e: {  	[tilespmem:$0x8500] =	vst v0  }
0x2f: {  	[tilespmem:$0x8110] =	vst v0  }
0x30: {  	[tilespmem:$0x8510] =	vst v0  }
0x31: {  	[tilespmem:$0x8120] =	vst v0  }
0x32: {  	[tilespmem:$0x8520] =	vst v0  }
0x33: {  	[tilespmem:$0x8130] =	vst v0  }
0x34: {  	[tilespmem:$0x8530] =	vst v0  }
0x35: {  	[tilespmem:$0x8140] =	vst v0  }
0x36: {  	[tilespmem:$0x8540] =	vst v0  }
0x37: {  	[tilespmem:$0x8150] =	vst v0  }
0x38: {  	[tilespmem:$0x8550] =	vst v0  }
0x39: {  	[tilespmem:$0x8160] =	vst v0  }
0x3a: {  	[tilespmem:$0x8560] =	vst v0  }
0x3b: {  	[tilespmem:$0x8170] =	vst v0  }
0x3c: {  	[tilespmem:$0x8570] =	vst v0  }
0x3d: {  	[tilespmem:$0x8180] =	vst v0  }
0x3e: {  	[tilespmem:$0x8580] =	vst v0  }
0x3f: {  	[tilespmem:$0x8190] =	vst v0  }
0x40: {  	[tilespmem:$0x8590] =	vst v0  }
0x41: {  	[tilespmem:$0x81A0] =	vst v0  }
0x42: {  	[tilespmem:$0x85A0] =	vst v0  }
0x43: {  	[tilespmem:$0x81B0] =	vst v0  }
0x44: {  	[tilespmem:$0x85B0] =	vst v0  }
0x45: {  	[tilespmem:$0x81C0] =	vst v0  }
0x46: {  	[tilespmem:$0x85C0] =	vst v0  }
0x47: {  	[tilespmem:$0x81D0] =	vst v0  }
0x48: {  	[tilespmem:$0x85D0] =	vst v0  }
0x49: {  	[tilespmem:$0x81E0] =	vst v0  }
0x4a: {  	[tilespmem:$0x85E0] =	vst v0  }
0x4b: {  	[tilespmem:$0x81F0] =	vst v0  }
0x4c: {  	[tilespmem:$0x85F0] =	vst v0  }
0x4d: {  	[tilespmem:$0x8200] =	vst v0  }
0x4e: {  	[tilespmem:$0x8600] =	vst v0  }
0x4f: {  	[tilespmem:$0x8210] =	vst v0  }
0x50: {  	[tilespmem:$0x8610] =	vst v0  }
0x51: {  	[tilespmem:$0x8220] =	vst v0  }
0x52: {  	[tilespmem:$0x8620] =	vst v0  }
0x53: {  	[tilespmem:$0x8230] =	vst v0  }
0x54: {  	[tilespmem:$0x8630] =	vst v0  }
0x55: {  	[tilespmem:$0x8240] =	vst v0  }
0x56: {  	[tilespmem:$0x8640] =	vst v0  }
0x57: {  	[tilespmem:$0x8250] =	vst v0  }
0x58: {  	[tilespmem:$0x8650] =	vst v0  }
0x59: {  	[tilespmem:$0x8260] =	vst v0  }
0x5a: {  	[tilespmem:$0x8660] =	vst v0  }
0x5b: {  	[tilespmem:$0x8270] =	vst v0  }
0x5c: {  	[tilespmem:$0x8670] =	vst v0  }
0x5d: {  	[tilespmem:$0x8280] =	vst v0  }
0x5e: {  	[tilespmem:$0x8680] =	vst v0  }
0x5f: {  	[tilespmem:$0x8290] =	vst v0  }
0x60: {  	[tilespmem:$0x8690] =	vst v0  }
0x61: {  	[tilespmem:$0x82A0] =	vst v0  }
0x62: {  	[tilespmem:$0x86A0] =	vst v0  }
0x63: {  	[tilespmem:$0x82B0] =	vst v0  }
0x64: {  	[tilespmem:$0x86B0] =	vst v0  }
0x65: {  	[tilespmem:$0x82C0] =	vst v0  }
0x66: {  	[tilespmem:$0x86C0] =	vst v0  }
0x67: {  	[tilespmem:$0x82D0] =	vst v0  }
0x68: {  	[tilespmem:$0x86D0] =	vst v0  }
0x69: {  	[tilespmem:$0x82E0] =	vst v0  }
0x6a: {  	[tilespmem:$0x86E0] =	vst v0  }
0x6b: {  	[tilespmem:$0x82F0] =	vst v0  }
0x6c: {  	[tilespmem:$0x86F0] =	vst v0  }
0x6d: {  	[tilespmem:$0x8300] =	vst v0  }
0x6e: {  	[tilespmem:$0x8700] =	vst v0  }
0x6f: {  	[tilespmem:$0x8310] =	vst v0  }
0x70: {  	[tilespmem:$0x8710] =	vst v0  }
0x71: {  	[tilespmem:$0x8320] =	vst v0  }
0x72: {  	[tilespmem:$0x8720] =	vst v0  }
0x73: {  	[tilespmem:$0x8330] =	vst v0  }
0x74: {  	[tilespmem:$0x8730] =	vst v0  }
0x75: {  	[tilespmem:$0x8340] =	vst v0  }
0x76: {  	[tilespmem:$0x8740] =	vst v0  }
0x77: {  	[tilespmem:$0x8350] =	vst v0  }
0x78: {  	[tilespmem:$0x8750] =	vst v0  }
0x79: {  	[tilespmem:$0x8360] =	vst v0  }
0x7a: {  	[tilespmem:$0x8760] =	vst v0  }
0x7b: {  	[tilespmem:$0x8370] =	vst v0  }
0x7c: {  	[tilespmem:$0x8770] =	vst v0  }
0x7d: {  	[tilespmem:$0x8380] =	vst v0  }
0x7e: {  	[tilespmem:$0x8780] =	vst v0  }
0x7f: {  	[tilespmem:$0x8390] =	vst v0  }
0x80: {  	[tilespmem:$0x8790] =	vst v0  }
0x81: {  	[tilespmem:$0x83A0] =	vst v0  }
0x82: {  	[tilespmem:$0x87A0] =	vst v0  }
0x83: {  	[tilespmem:$0x83B0] =	vst v0  }
0x84: {  	[tilespmem:$0x87B0] =	vst v0  }
0x85: {  	[tilespmem:$0x83C0] =	vst v0  }
0x86: {  	[tilespmem:$0x87C0] =	vst v0  }
0x87: {  	[tilespmem:$0x83D0] =	vst v0  }
0x88: {  	[tilespmem:$0x87D0] =	vst v0  }
0x89: {  	[tilespmem:$0x83E0] =	vst v0  }
0x8a: {  	[tilespmem:$0x87E0] =	vst v0  }
0x8b: {  	[tilespmem:$0x83F0] =	vst v0  }
0x8c: {  	[tilespmem:$0x87F0] =	vst v0  }
0x8d: {  	[tilespmem:s2], [sflag:$0x1] =	stream.linear.gather [hbm4b:s6+s2], $0x2000, $0x38;
	[tilespmem:$0x8800] =	vst v63  }
0x8e: {  	s21 =	simm.s32 $0x0  }
0x8f: {  	[tilespmem:s12], [sflag:$0x1] =	stream.linear.gather [hbm4b:s7+s2], $0x2000, $0x38;
	[tilespmem:$0x8800] =	vst v63  }
.LBB2_2:
0x90: {  	s22 =	sshll.u32 s21, $0xE  }
0x91: {  	s23 =	sor.u32 s22, s5  }
0x92: {  	s23 =	sshrl.u32 s23, $0x3  }
0x93: {  	s23 =	sor.u32 $0x400, s23  }
0x94: {  	s24 =	sadd.s32 s3, s23  }
0x95: {  	[tilespmem:s13], [sflag:$0x2] =	stream.linear.gather [hbm4b:s24+s2], $0x2000, $0x38;
	[tilespmem:$0x8800] =	vst v63  }
0x96: {  	s23 =	sadd.s32 s4, s23  }
0x97: {  	[tilespmem:s14], [sflag:$0x2] =	stream.linear.gather [hbm4b:s23+s2], $0x2000, $0x38;
	[tilespmem:$0x8800] =	vst v63  }
0x98: {  	_ =	swait.ge [sflag:s15], $0x2000  }
0x99: {  	[sflag:s15] =	ssyncset.done $0x0  }
0x9a: {  	[sflag:s15] =	ssyncadd.s32 $0xFFFFE000  }
0x9b: {  	_ =	swait.ge [sflag:s15], $0x2000  }
0x9c: {  	[sflag:s15] =	ssyncset.done $0x0  }
0x9d: {  	s29 =	simm.s32 $0x20;
	[sflag:s15] =	ssyncadd.s32 $0xFFFFE000  }
0x9e: {  	v3 =	vld [tilespmem:s29+$0x10]  }
0x9f: {  	v4 =	vld [tilespmem:s29+$0xFFFFFFF0];
	_ =	sdelay $0x2  }
0xa0: {  	v5 =	vld [tilespmem:s29+$0xFFFFFFE0]  }
0xa1: {  	v6 =	vshll.u32 v3, $0x4  }
0xa2: {  	v8 =	vshll.u32 v4, $0x4;
	v6 =	vor.u32 v1, v6  }
0xa3: {  	v3 =	vshrl.u32 v3, $0xC;
	v8 =	vor.u32 v1, v8;
	v6 =	vand.u32 $0x3FF, v6  }
0xa4: {  	v3 =	vand.u32 $0x3F0, v3;
	v8 =	vand.u32 $0x3FF, v8  }
0xa5: {  	v7 =	vld [tilespmem:s29+$0x0];
	v9 =	vshll.u32 v5, $0x4;
	v3 =	vor.u32 v1, v3  }
0xa6: {  	s31 =	simm.s32 $0x60;
	v5 =	vshrl.u32 v5, $0xC;
	v9 =	vor.u32 v1, v9  }
0xa7: {  	v10 =	vld [tilespmem:s31+$0x0];
	v5 =	vand.u32 $0x3F0, v5;
	v9 =	vand.u32 $0x3FF, v9  }
0xa8: {  	v5 =	vor.u32 v1, v5;
	[tilespmem:v6+s16+$0x0] =	vst.idx.add.f32.msk $0xffff, v2  }
0xa9: {  	v4 =	vshrl.u32 v4, $0xC;
	[tilespmem:v8+s16+$0x0] =	vst.idx.add.f32.msk $0xffff, v2  }
0xaa: {  	s30 =	simm.s32 $0x4020;
	v4 =	vand.u32 $0x3F0, v4;
	v6 =	vshll.u32 v7, $0x4;
	[tilespmem:v3+s16+$0x0] =	vst.idx.add.f32.msk $0xffff, v2  }
0xab: {  	v4 =	vor.u32 v1, v4;
	v3 =	vor.u32 v1, v6;
	v6 =	vld [tilespmem:s30+$0x10]  }
0xac: {  	v7 =	vshrl.u32 v7, $0xC;
	[tilespmem:v9+s16+$0x0] =	vst.idx.add.f32.msk $0xffff, v2;
	v3 =	vand.u32 $0x3FF, v3  }
0xad: {  	v7 =	vand.u32 $0x3F0, v7;
	[tilespmem:v5+s16+$0x0] =	vst.idx.add.f32.msk $0xffff, v2  }
0xae: {  	v5 =	vor.u32 v1, v7;
	v7 =	vld [tilespmem:s31+$0x10]  }
0xaf: {  	v8 =	vld [tilespmem:s31+$0xFFFFFFE0]  }
0xb0: {  	[tilespmem:v4+s16+$0x0] =	vst.idx.add.f32.msk $0xffff, v2;
	v4 =	vshll.u32 v6, $0x4  }
0xb1: {  	[tilespmem:v3+s16+$0x0] =	vst.idx.add.f32.msk $0xffff, v2;
	v3 =	vor.u32 v1, v4;
	v4 =	vshrl.u32 v6, $0xC  }
0xb2: {  	v6 =	vld [tilespmem:s31+$0xFFFFFFF0];
	v3 =	vand.u32 $0x3FF, v3;
	v4 =	vand.u32 $0x3F0, v4  }
0xb3: {  	[tilespmem:v5+s16+$0x0] =	vst.idx.add.f32.msk $0xffff, v2;
	v5 =	vshll.u32 v7, $0x4;
	v4 =	vor.u32 v1, v4  }
0xb4: {  	v7 =	vshrl.u32 v7, $0xC;
	v5 =	vor.u32 v1, v5  }
0xb5: {  	v9 =	vld [tilespmem:s30+$0xFFFFFFE0];
	v7 =	vand.u32 $0x3F0, v7;
	v5 =	vand.u32 $0x3FF, v5  }
0xb6: {  	v11 =	vld [tilespmem:s30+$0xFFFFFFF0];
	v7 =	vor.u32 v1, v7  }
0xb7: {  	v13 =	vshll.u32 v10, $0x4;
	v12 =	vshll.u32 v6, $0x4;
	[tilespmem:v3+s17+$0x0] =	vst.idx.add.f32.msk $0xffff, v2  }
0xb8: {  	v6 =	vshrl.u32 v6, $0xC;
	v3 =	vor.u32 v1, v12;
	v12 =	vshll.u32 v8, $0x4;
	[tilespmem:v4+s17+$0x0] =	vst.idx.add.f32.msk $0xffff, v2  }
0xb9: {  	v3 =	vand.u32 $0x3FF, v3;
	v4 =	vshrl.u32 v8, $0xC;
	v8 =	vor.u32 v1, v12;
	v12 =	vld [tilespmem:s30+$0x0]  }
0xba: {  	v6 =	vand.u32 $0x3F0, v6;
	[tilespmem:v5+s16+$0x0] =	vst.idx.add.f32.msk $0xffff, v2;
	v4 =	vand.u32 $0x3F0, v4;
	v8 =	vand.u32 $0x3FF, v8  }
0xbb: {  	s23 =	simm.s32 $0x4060;
	v5 =	vshrl.u32 v10, $0xC;
	v10 =	vor.u32 v1, v13;
	[tilespmem:v7+s16+$0x0] =	vst.idx.add.f32.msk $0xffff, v2;
	v4 =	vor.u32 v1, v4  }
0xbc: {  	v6 =	vor.u32 v1, v6;
	v7 =	vshll.u32 v9, $0x4;
	v5 =	vand.u32 $0x3F0, v5;
	v13 =	vld [tilespmem:s23+$0x10]  }
0xbd: {  	v10 =	vand.u32 $0x3FF, v10;
	v9 =	vshrl.u32 v9, $0xC;
	v7 =	vor.u32 v1, v7  }
0xbe: {  	v14 =	vor.u32 v1, v5;
	v5 =	vshrl.u32 v11, $0xC;
	v9 =	vand.u32 $0x3F0, v9;
	[tilespmem:v3+s16+$0x0] =	vst.idx.add.f32.msk $0xffff, v2  }
0xbf: {  	v3 =	vshll.u32 v11, $0x4;
	v11 =	vshrl.u32 v12, $0xC;
	[tilespmem:v8+s16+$0x0] =	vst.idx.add.f32.msk $0xffff, v2;
	v8 =	vshll.u32 v12, $0x4  }
0xc0: {  	v3 =	vor.u32 v1, v3;
	[tilespmem:v4+s16+$0x0] =	vst.idx.add.f32.msk $0xffff, v2;
	v4 =	vor.u32 v1, v8;
	v8 =	vand.u32 $0x3FF, v7  }
0xc1: {  	[tilespmem:v6+s16+$0x0] =	vst.idx.add.f32.msk $0xffff, v2;
	v7 =	vor.u32 v1, v9;
	v6 =	vand.u32 $0x3FF, v3;
	v3 =	vshll.u32 v13, $0x4  }
0xc2: {  	[tilespmem:v10+s16+$0x0] =	vst.idx.add.f32.msk $0xffff, v2;
	v9 =	vand.u32 $0x3F0, v11;
	v10 =	vshrl.u32 v13, $0xC;
	v11 =	vor.u32 v1, v3  }
0xc3: {  	[tilespmem:v14+s16+$0x0] =	vst.idx.add.f32.msk $0xffff, v2;
	v13 =	vand.u32 $0x3F0, v10;
	v12 =	vand.u32 $0x3FF, v11  }
0xc4: {  	v5 =	vand.u32 $0x3F0, v5;
	v10 =	vld [tilespmem:s23+$0xFFFFFFE0];
	v11 =	vor.u32 v1, v13  }
0xc5: {  	s25 =	simm.s32 $0xA0;
	s24 =	simm.s32 $0x4;
	v5 =	vor.u32 v1, v5;
	v4 =	vand.u32 $0x3FF, v4;
	v3 =	vor.u32 v1, v9;
	v9 =	vld [tilespmem:s23+$0xFFFFFFF0]  }
.LBB2_3:
0xc6: {  	v13 =	vld [tilespmem:s25+$0x10]  }
0xc7: {  	v14 =	vld [tilespmem:s25+$0xFFFFFFF0]  }
0xc8: {  	s24 =	sadd.s32 $0x4, s24;
	[tilespmem:v12+s17+$0x0] =	vst.idx.add.f32.msk $0xffff, v2  }
0xc9: {  	p0 =	slt.u32 s24, $0x1FC;
	v12 =	vshll.u32 v10, $0x4;
	v10 =	vshrl.u32 v10, $0xC;
	[tilespmem:v11+s17+$0x0] =	vst.idx.add.f32.msk $0xffff, v2  }
0xca: {  	v11 =	vld [tilespmem:s25+$0x0];
	v12 =	vor.u32 v1, v12;
	v15 =	vshll.u32 v9, $0x4;
	v9 =	vshrl.u32 v9, $0xC  }
0xcb: {  	v10 =	vand.u32 $0x3F0, v10;
	v16 =	vld [tilespmem:s25+$0xFFFFFFE0];
	v17 =	vshll.u32 v13, $0x4;
	v15 =	vor.u32 v1, v15  }
0xcc: {  	v13 =	vshrl.u32 v13, $0xC;
	v18 =	vshll.u32 v14, $0x4;
	v17 =	vor.u32 v1, v17;
	v19 =	vld [tilespmem:s23+$0x0]  }
0xcd: {  	v14 =	vshrl.u32 v14, $0xC;
	v13 =	vand.u32 $0x3F0, v13;
	v17 =	vand.u32 $0x3FF, v17;
	[tilespmem:v8+s17+$0x0] =	vst.idx.add.f32.msk $0xffff, v2  }
0xce: {  	v8 =	vor.u32 v1, v18;
	v14 =	vand.u32 $0x3F0, v14;
	v13 =	vor.u32 v1, v13;
	[tilespmem:v7+s17+$0x0] =	vst.idx.add.f32.msk $0xffff, v2  }
0xcf: {  	v7 =	vand.u32 $0x3FF, v8;
	v8 =	vshll.u32 v11, $0x4;
	v11 =	vshrl.u32 v11, $0xC;
	[tilespmem:v6+s17+$0x0] =	vst.idx.add.f32.msk $0xffff, v2  }
0xd0: {  	v6 =	vshll.u32 v16, $0x4;
	v16 =	vshrl.u32 v16, $0xC;
	v8 =	vor.u32 v1, v8;
	[tilespmem:v5+s17+$0x0] =	vst.idx.add.f32.msk $0xffff, v2  }
0xd1: {  	v11 =	vand.u32 $0x3F0, v11;
	v5 =	vor.u32 v1, v6;
	v6 =	vand.u32 $0x3F0, v16;
	[tilespmem:v4+s17+$0x0] =	vst.idx.add.f32.msk $0xffff, v2  }
0xd2: {  	v14 =	vor.u32 v1, v14;
	v16 =	vand.u32 $0x3FF, v5;
	v18 =	vor.u32 v1, v6;
	[tilespmem:v17+s16+$0x0] =	vst.idx.add.f32.msk $0xffff, v2  }
0xd3: {  	s23 =	sadd.s32 $0x40, s23;
	v11 =	vor.u32 v1, v11;
	v4 =	vshll.u32 v19, $0x4;
	v17 =	vand.u32 $0x3FF, v8;
	[tilespmem:v13+s16+$0x0] =	vst.idx.add.f32.msk $0xffff, v2  }
0xd4: {  	v5 =	vand.u32 $0x3F0, v9;
	v4 =	vor.u32 v1, v4;
	v6 =	vshrl.u32 v19, $0xC;
	v13 =	vld [tilespmem:s23+$0x10]  }
0xd5: {  	v8 =	vand.u32 $0x3FF, v12;
	v9 =	vand.u32 $0x3F0, v6;
	[tilespmem:v7+s16+$0x0] =	vst.idx.add.f32.msk $0xffff, v2;
	v7 =	vor.u32 v1, v10  }
0xd6: {  	v6 =	vand.u32 $0x3FF, v15;
	v5 =	vor.u32 v1, v5;
	v4 =	vand.u32 $0x3FF, v4;
	[tilespmem:v3+s17+$0x0] =	vst.idx.add.f32.msk $0xffff, v2  }
0xd7: {  	v3 =	vor.u32 v1, v9;
	[tilespmem:v16+s16+$0x0] =	vst.idx.add.f32.msk $0xffff, v2  }
0xd8: {  	[tilespmem:v18+s16+$0x0] =	vst.idx.add.f32.msk $0xffff, v2  }
.Ltmp0:
0xd9: {  	[tilespmem:v14+s16+$0x0] =	vst.idx.add.f32.msk $0xffff, v2;
	v9 =	vshll.u32 v13, $0x4;
	(pc) =	sbr.rel @p0 .LBB2_3-.Ltmp0, $4  }
0xda: {  	v10 =	vshrl.u32 v13, $0xC;
	[tilespmem:v17+s16+$0x0] =	vst.idx.add.f32.msk $0xffff, v2;
	v9 =	vor.u32 v1, v9  }
0xdb: {  	[tilespmem:v11+s16+$0x0] =	vst.idx.add.f32.msk $0xffff, v2;
	v12 =	vand.u32 $0x3FF, v9;
	v9 =	vand.u32 $0x3F0, v10  }
0xdc: {  	v10 =	vld [tilespmem:s23+$0xFFFFFFE0];
	v11 =	vor.u32 v1, v9  }
0xdd: {  	s25 =	sadd.s32 $0x40, s25;
	v9 =	vld [tilespmem:s23+$0xFFFFFFF0]  }
0xde: {  	_ =	sdelay $0x3  }
0xdf: {  	[tilespmem:v12+s17+$0x0] =	vst.idx.add.f32.msk $0xffff, v2  }
0xe0: {  	v12 =	vld [tilespmem:s23+$0x0]  }
0xe1: {  	[tilespmem:v8+s17+$0x0] =	vst.idx.add.f32.msk $0xffff, v2;
	v13 =	vshll.u32 v10, $0x4  }
0xe2: {  	[tilespmem:v11+s17+$0x0] =	vst.idx.add.f32.msk $0xffff, v2;
	v10 =	vshrl.u32 v10, $0xC;
	v11 =	vor.u32 v1, v13  }
0xe3: {  	[tilespmem:v7+s17+$0x0] =	vst.idx.add.f32.msk $0xffff, v2;
	v8 =	vshll.u32 v9, $0x4;
	v10 =	vand.u32 $0x3F0, v10;
	v7 =	vand.u32 $0x3FF, v11  }
0xe4: {  	[tilespmem:v6+s17+$0x0] =	vst.idx.add.f32.msk $0xffff, v2;
	v9 =	vshrl.u32 v9, $0xC;
	v8 =	vor.u32 v1, v8;
	v6 =	vor.u32 v1, v10  }
0xe5: {  	[tilespmem:v5+s17+$0x0] =	vst.idx.add.f32.msk $0xffff, v2;
	v5 =	vshll.u32 v12, $0x4;
	v9 =	vand.u32 $0x3F0, v9;
	v8 =	vand.u32 $0x3FF, v8  }
0xe6: {  	[tilespmem:v4+s17+$0x0] =	vst.idx.add.f32.msk $0xffff, v2;
	v4 =	vor.u32 v1, v5;
	v5 =	vshrl.u32 v12, $0xC;
	v9 =	vor.u32 v1, v9  }
0xe7: {  	[tilespmem:v3+s17+$0x0] =	vst.idx.add.f32.msk $0xffff, v2;
	v5 =	vand.u32 $0x3F0, v5;
	v4 =	vand.u32 $0x3FF, v4  }
0xe8: {  	v3 =	vor.u32 v1, v5;
	[tilespmem:v7+s17+$0x0] =	vst.idx.add.f32.msk $0xffff, v2  }
0xe9: {  	[tilespmem:v6+s17+$0x0] =	vst.idx.add.f32.msk $0xffff, v2  }
0xea: {  	p0 =	seq.s32 s21, $0x7;
	[tilespmem:v8+s17+$0x0] =	vst.idx.add.f32.msk $0xffff, v2  }
0xeb: {  	s22 =	sadd.s32 @!p0 s22, s8;
	[tilespmem:v9+s17+$0x0] =	vst.idx.add.f32.msk $0xffff, v2  }
0xec: {  	s22 =	sshrl.u32 @!p0 s22, $0x3;
	[tilespmem:v4+s17+$0x0] =	vst.idx.add.f32.msk $0xffff, v2  }
0xed: {  	s24 =	simm.s32 @!p0 $0x0;
	s23 =	sadd.s32 @!p0 s3, s22;
	[tilespmem:v3+s17+$0x0] =	vst.idx.add.f32.msk $0xffff, v2  }
0xee: {  	[tilespmem:s24], [sflag:$0x1] =	stream.linear.gather @!p0 [hbm4b:s23+s24], $0x2000, $0x38;
	[tilespmem:$0x8800] =	vst v63  }
0xef: {  	s22 =	sadd.s32 @!p0 s4, s22;
	s23 =	simm.s32 @!p0 $0x4000  }
0xf0: {  	[tilespmem:s23], [sflag:$0x1] =	stream.linear.gather @!p0 [hbm4b:s22+s24], $0x2000, $0x38;
	[tilespmem:$0x8800] =	vst v63  }
0xf1: {  	_ =	swait.ge [sflag:s18], $0x2000  }
0xf2: {  	[sflag:s18] =	ssyncset.done $0x0  }
0xf3: {  	[sflag:s18] =	ssyncadd.s32 $0xFFFFE000  }
0xf4: {  	_ =	swait.ge [sflag:s18], $0x2000  }
0xf5: {  	[sflag:s18] =	ssyncset.done $0x0  }
0xf6: {  	s29 =	simm.s32 $0x2030;
	[sflag:s18] =	ssyncadd.s32 $0xFFFFE000  }
0xf7: {  	v3 =	vld [tilespmem:s29+$0x0]  }
0xf8: {  	v4 =	vld [tilespmem:s29+$0xFFFFFFE0];
	_ =	sdelay $0x2  }
0xf9: {  	v5 =	vld [tilespmem:s29+$0xFFFFFFD0]  }
0xfa: {  	v6 =	vshll.u32 v3, $0x4  }
0xfb: {  	v8 =	vshll.u32 v4, $0x4;
	v6 =	vor.u32 v1, v6  }
0xfc: {  	v3 =	vshrl.u32 v3, $0xC;
	v8 =	vor.u32 v1, v8;
	v6 =	vand.u32 $0x3FF, v6  }
0xfd: {  	v3 =	vand.u32 $0x3F0, v3;
	v8 =	vand.u32 $0x3FF, v8  }
0xfe: {  	v7 =	vld [tilespmem:s29+$0xFFFFFFF0];
	v9 =	vshll.u32 v5, $0x4;
	v3 =	vor.u32 v1, v3  }
0xff: {  	s31 =	simm.s32 $0x2070;
	v5 =	vshrl.u32 v5, $0xC;
	v9 =	vor.u32 v1, v9  }
0x100: {  	v10 =	vld [tilespmem:s31+$0xFFFFFFF0];
	v5 =	vand.u32 $0x3F0, v5;
	v9 =	vand.u32 $0x3FF, v9  }
0x101: {  	v5 =	vor.u32 v1, v5;
	[tilespmem:v6+s16+$0x0] =	vst.idx.add.f32.msk $0xffff, v2  }
0x102: {  	v4 =	vshrl.u32 v4, $0xC;
	[tilespmem:v8+s16+$0x0] =	vst.idx.add.f32.msk $0xffff, v2  }
0x103: {  	s30 =	simm.s32 $0x6030;
	v4 =	vand.u32 $0x3F0, v4;
	v6 =	vshll.u32 v7, $0x4;
	[tilespmem:v3+s16+$0x0] =	vst.idx.add.f32.msk $0xffff, v2  }
0x104: {  	v4 =	vor.u32 v1, v4;
	v3 =	vor.u32 v1, v6;
	v6 =	vld [tilespmem:s30+$0x0]  }
0x105: {  	v7 =	vshrl.u32 v7, $0xC;
	[tilespmem:v9+s16+$0x0] =	vst.idx.add.f32.msk $0xffff, v2;
	v3 =	vand.u32 $0x3FF, v3  }
0x106: {  	v7 =	vand.u32 $0x3F0, v7;
	[tilespmem:v5+s16+$0x0] =	vst.idx.add.f32.msk $0xffff, v2  }
0x107: {  	v5 =	vor.u32 v1, v7;
	v7 =	vld [tilespmem:s31+$0x0]  }
0x108: {  	v8 =	vld [tilespmem:s31+$0xFFFFFFD0]  }
0x109: {  	[tilespmem:v4+s16+$0x0] =	vst.idx.add.f32.msk $0xffff, v2;
	v4 =	vshll.u32 v6, $0x4  }
0x10a: {  	[tilespmem:v3+s16+$0x0] =	vst.idx.add.f32.msk $0xffff, v2;
	v3 =	vor.u32 v1, v4;
	v4 =	vshrl.u32 v6, $0xC  }
0x10b: {  	v6 =	vld [tilespmem:s31+$0xFFFFFFE0];
	v3 =	vand.u32 $0x3FF, v3;
	v4 =	vand.u32 $0x3F0, v4  }
0x10c: {  	[tilespmem:v5+s16+$0x0] =	vst.idx.add.f32.msk $0xffff, v2;
	v5 =	vshll.u32 v7, $0x4;
	v4 =	vor.u32 v1, v4  }
0x10d: {  	v7 =	vshrl.u32 v7, $0xC;
	v5 =	vor.u32 v1, v5  }
0x10e: {  	v9 =	vld [tilespmem:s30+$0xFFFFFFD0];
	v7 =	vand.u32 $0x3F0, v7;
	v5 =	vand.u32 $0x3FF, v5  }
0x10f: {  	v11 =	vld [tilespmem:s30+$0xFFFFFFE0];
	v7 =	vor.u32 v1, v7  }
0x110: {  	v13 =	vshll.u32 v10, $0x4;
	v12 =	vshll.u32 v6, $0x4;
	[tilespmem:v3+s17+$0x0] =	vst.idx.add.f32.msk $0xffff, v2  }
0x111: {  	v6 =	vshrl.u32 v6, $0xC;
	v3 =	vor.u32 v1, v12;
	v12 =	vshll.u32 v8, $0x4;
	[tilespmem:v4+s17+$0x0] =	vst.idx.add.f32.msk $0xffff, v2  }
0x112: {  	v3 =	vand.u32 $0x3FF, v3;
	v4 =	vshrl.u32 v8, $0xC;
	v8 =	vor.u32 v1, v12;
	v12 =	vld [tilespmem:s30+$0xFFFFFFF0]  }
0x113: {  	v6 =	vand.u32 $0x3F0, v6;
	[tilespmem:v5+s16+$0x0] =	vst.idx.add.f32.msk $0xffff, v2;
	v4 =	vand.u32 $0x3F0, v4;
	v8 =	vand.u32 $0x3FF, v8  }
0x114: {  	s22 =	simm.s32 $0x6070;
	v5 =	vshrl.u32 v10, $0xC;
	v10 =	vor.u32 v1, v13;
	[tilespmem:v7+s16+$0x0] =	vst.idx.add.f32.msk $0xffff, v2;
	v4 =	vor.u32 v1, v4  }
0x115: {  	v6 =	vor.u32 v1, v6;
	v7 =	vshll.u32 v9, $0x4;
	v5 =	vand.u32 $0x3F0, v5;
	v13 =	vld [tilespmem:s22+$0x0]  }
0x116: {  	v10 =	vand.u32 $0x3FF, v10;
	v9 =	vshrl.u32 v9, $0xC;
	v7 =	vor.u32 v1, v7  }
0x117: {  	v14 =	vor.u32 v1, v5;
	v5 =	vshrl.u32 v11, $0xC;
	v9 =	vand.u32 $0x3F0, v9;
	[tilespmem:v3+s16+$0x0] =	vst.idx.add.f32.msk $0xffff, v2  }
0x118: {  	v3 =	vshll.u32 v11, $0x4;
	v11 =	vshrl.u32 v12, $0xC;
	[tilespmem:v8+s16+$0x0] =	vst.idx.add.f32.msk $0xffff, v2;
	v8 =	vshll.u32 v12, $0x4  }
0x119: {  	v3 =	vor.u32 v1, v3;
	[tilespmem:v4+s16+$0x0] =	vst.idx.add.f32.msk $0xffff, v2;
	v4 =	vor.u32 v1, v8;
	v8 =	vand.u32 $0x3FF, v7  }
0x11a: {  	[tilespmem:v6+s16+$0x0] =	vst.idx.add.f32.msk $0xffff, v2;
	v7 =	vor.u32 v1, v9;
	v6 =	vand.u32 $0x3FF, v3;
	v3 =	vshll.u32 v13, $0x4  }
0x11b: {  	[tilespmem:v10+s16+$0x0] =	vst.idx.add.f32.msk $0xffff, v2;
	v9 =	vand.u32 $0x3F0, v11;
	v10 =	vshrl.u32 v13, $0xC;
	v11 =	vor.u32 v1, v3  }
0x11c: {  	[tilespmem:v14+s16+$0x0] =	vst.idx.add.f32.msk $0xffff, v2;
	v13 =	vand.u32 $0x3F0, v10;
	v12 =	vand.u32 $0x3FF, v11  }
0x11d: {  	v5 =	vand.u32 $0x3F0, v5;
	v10 =	vld [tilespmem:s22+$0xFFFFFFD0];
	v11 =	vor.u32 v1, v13  }
0x11e: {  	s23 =	simm.s32 $0x4;
	s24 =	simm.s32 $0x20B0;
	v5 =	vor.u32 v1, v5;
	v4 =	vand.u32 $0x3FF, v4;
	v3 =	vor.u32 v1, v9;
	v9 =	vld [tilespmem:s22+$0xFFFFFFE0]  }
.LBB2_5:
0x11f: {  	v13 =	vld [tilespmem:s24+$0x0]  }
0x120: {  	v14 =	vld [tilespmem:s24+$0xFFFFFFE0]  }
0x121: {  	s23 =	sadd.s32 $0x4, s23;
	[tilespmem:v12+s17+$0x0] =	vst.idx.add.f32.msk $0xffff, v2  }
0x122: {  	p0 =	slt.u32 s23, $0x1FC;
	v12 =	vshll.u32 v10, $0x4;
	v10 =	vshrl.u32 v10, $0xC;
	[tilespmem:v11+s17+$0x0] =	vst.idx.add.f32.msk $0xffff, v2  }
0x123: {  	v11 =	vld [tilespmem:s24+$0xFFFFFFF0];
	v12 =	vor.u32 v1, v12;
	v15 =	vshll.u32 v9, $0x4;
	v9 =	vshrl.u32 v9, $0xC  }
0x124: {  	v10 =	vand.u32 $0x3F0, v10;
	v16 =	vld [tilespmem:s24+$0xFFFFFFD0];
	v17 =	vshll.u32 v13, $0x4;
	v15 =	vor.u32 v1, v15  }
0x125: {  	v13 =	vshrl.u32 v13, $0xC;
	v18 =	vshll.u32 v14, $0x4;
	v17 =	vor.u32 v1, v17;
	v19 =	vld [tilespmem:s22+$0xFFFFFFF0]  }
0x126: {  	v14 =	vshrl.u32 v14, $0xC;
	v13 =	vand.u32 $0x3F0, v13;
	v17 =	vand.u32 $0x3FF, v17;
	[tilespmem:v8+s17+$0x0] =	vst.idx.add.f32.msk $0xffff, v2  }
0x127: {  	v8 =	vor.u32 v1, v18;
	v14 =	vand.u32 $0x3F0, v14;
	v13 =	vor.u32 v1, v13;
	[tilespmem:v7+s17+$0x0] =	vst.idx.add.f32.msk $0xffff, v2  }
0x128: {  	v7 =	vand.u32 $0x3FF, v8;
	v8 =	vshll.u32 v11, $0x4;
	v11 =	vshrl.u32 v11, $0xC;
	[tilespmem:v6+s17+$0x0] =	vst.idx.add.f32.msk $0xffff, v2  }
0x129: {  	v6 =	vshll.u32 v16, $0x4;
	v16 =	vshrl.u32 v16, $0xC;
	v8 =	vor.u32 v1, v8;
	[tilespmem:v5+s17+$0x0] =	vst.idx.add.f32.msk $0xffff, v2  }
0x12a: {  	v11 =	vand.u32 $0x3F0, v11;
	v5 =	vor.u32 v1, v6;
	v6 =	vand.u32 $0x3F0, v16;
	[tilespmem:v4+s17+$0x0] =	vst.idx.add.f32.msk $0xffff, v2  }
0x12b: {  	v14 =	vor.u32 v1, v14;
	v16 =	vand.u32 $0x3FF, v5;
	v18 =	vor.u32 v1, v6;
	[tilespmem:v17+s16+$0x0] =	vst.idx.add.f32.msk $0xffff, v2  }
0x12c: {  	s22 =	sadd.s32 $0x40, s22;
	v11 =	vor.u32 v1, v11;
	v4 =	vshll.u32 v19, $0x4;
	v17 =	vand.u32 $0x3FF, v8;
	[tilespmem:v13+s16+$0x0] =	vst.idx.add.f32.msk $0xffff, v2  }
0x12d: {  	v5 =	vand.u32 $0x3F0, v9;
	v4 =	vor.u32 v1, v4;
	v6 =	vshrl.u32 v19, $0xC;
	v13 =	vld [tilespmem:s22+$0x0]  }
0x12e: {  	v8 =	vand.u32 $0x3FF, v12;
	v9 =	vand.u32 $0x3F0, v6;
	[tilespmem:v7+s16+$0x0] =	vst.idx.add.f32.msk $0xffff, v2;
	v7 =	vor.u32 v1, v10  }
0x12f: {  	v6 =	vand.u32 $0x3FF, v15;
	v5 =	vor.u32 v1, v5;
	v4 =	vand.u32 $0x3FF, v4;
	[tilespmem:v3+s17+$0x0] =	vst.idx.add.f32.msk $0xffff, v2  }
0x130: {  	v3 =	vor.u32 v1, v9;
	[tilespmem:v16+s16+$0x0] =	vst.idx.add.f32.msk $0xffff, v2  }
0x131: {  	[tilespmem:v18+s16+$0x0] =	vst.idx.add.f32.msk $0xffff, v2  }
.Ltmp1:
0x132: {  	[tilespmem:v14+s16+$0x0] =	vst.idx.add.f32.msk $0xffff, v2;
	v9 =	vshll.u32 v13, $0x4;
	(pc) =	sbr.rel @p0 .LBB2_5-.Ltmp1, $4  }
0x133: {  	v10 =	vshrl.u32 v13, $0xC;
	[tilespmem:v17+s16+$0x0] =	vst.idx.add.f32.msk $0xffff, v2;
	v9 =	vor.u32 v1, v9  }
0x134: {  	[tilespmem:v11+s16+$0x0] =	vst.idx.add.f32.msk $0xffff, v2;
	v12 =	vand.u32 $0x3FF, v9;
	v9 =	vand.u32 $0x3F0, v10  }
0x135: {  	v10 =	vld [tilespmem:s22+$0xFFFFFFD0];
	v11 =	vor.u32 v1, v9  }
0x136: {  	s24 =	sadd.s32 $0x40, s24;
	v9 =	vld [tilespmem:s22+$0xFFFFFFE0]  }
0x137: {  	_ =	sdelay $0x3  }
0x138: {  	[tilespmem:v12+s17+$0x0] =	vst.idx.add.f32.msk $0xffff, v2  }
0x139: {  	v54 =	vld [tilespmem:s22+$0xFFFFFFF0]  }
0x13a: {  	[tilespmem:v8+s17+$0x0] =	vst.idx.add.f32.msk $0xffff, v2;
	v13 =	vshll.u32 v10, $0x4  }
0x13b: {  	[tilespmem:v6+s17+$0x0] =	vst.idx.add.f32.msk $0xffff, v2;
	v55 =	vshrl.u32 v10, $0xC;
	v56 =	vor.u32 v1, v13  }
0x13c: {  	[tilespmem:v4+s17+$0x0] =	vst.idx.add.f32.msk $0xffff, v2;
	v57 =	vshll.u32 v9, $0x4;
	v10 =	vand.u32 $0x3F0, v55;
	v58 =	vand.u32 $0x3FF, v56  }
0x13d: {  	[tilespmem:v11+s17+$0x0] =	vst.idx.add.f32.msk $0xffff, v2;
	v59 =	vshrl.u32 v9, $0xC;
	v8 =	vor.u32 v1, v57;
	v60 =	vor.u32 v1, v10  }
0x13e: {  	[tilespmem:v7+s17+$0x0] =	vst.idx.add.f32.msk $0xffff, v2;
	v61 =	vshll.u32 v54, $0x4;
	v9 =	vand.u32 $0x3F0, v59;
	v8 =	vand.u32 $0x3FF, v8  }
0x13f: {  	[tilespmem:v5+s17+$0x0] =	vst.idx.add.f32.msk $0xffff, v2;
	v63 =	vshrl.u32 v54, $0xC;
	v62 =	vor.u32 v1, v61;
	v9 =	vor.u32 v1, v9  }
0x140: {  	s21 =	sadd.s32 $0x1, s21;
	[tilespmem:v3+s17+$0x0] =	vst.idx.add.f32.msk $0xffff, v2;
	v5 =	vand.u32 $0x3F0, v63;
	v4 =	vand.u32 $0x3FF, v62  }
0x141: {  	p0 =	sne.s32 s21, $0x8;
	v3 =	vor.u32 v1, v5;
	[tilespmem:v58+s17+$0x0] =	vst.idx.add.f32.msk $0xffff, v2  }
.Ltmp2:
0x142: {  	[tilespmem:v60+s17+$0x0] =	vst.idx.add.f32.msk $0xffff, v2;
	(pc) =	sbr.rel @p0 .LBB2_2-.Ltmp2, $4  }
0x143: {  	[tilespmem:v8+s17+$0x0] =	vst.idx.add.f32.msk $0xffff, v2  }
0x144: {  	[tilespmem:v9+s17+$0x0] =	vst.idx.add.f32.msk $0xffff, v2  }
0x145: {  	[tilespmem:v4+s17+$0x0] =	vst.idx.add.f32.msk $0xffff, v2  }
0x146: {  	[tilespmem:v3+s17+$0x0] =	vst.idx.add.f32.msk $0xffff, v2  }
0x147: {  	[hbm4b:s9+s2] =	stream.linear.scatter [tilespmem:s16], [sflag:$0x3], $0x400, $0x38;
	[tilespmem:$0x8800] =	vst v63  }
0x148: {  	s20 =	sadd.s32 $0x1, s20;
	_ =	swait.ge [sflag:s19], $0x400  }
0x149: {  	p0 =	sne.s32 s20, s11;
	[sflag:s19] =	ssyncset.done $0x0  }
.Ltmp3:
0x14a: {  	[sflag:s19] =	ssyncadd.s32 $0xFFFFFC00;
	(pc) =	sbr.rel @p0 .LBB2_1-.Ltmp3, $4  }
0x14b: {  	[hbm4b:s10+s2] =	stream.linear.scatter [tilespmem:s17], [sflag:$0x3], $0x400, $0x38;
	[tilespmem:$0x8800] =	vst v63  }
0x14c: {  	_ =	swait.ge [sflag:s19], $0x400  }
0x14d: {  	[sflag:s19] =	ssyncset.done $0x0  }
0x14e: {  	[sflag:s19] =	ssyncadd.s32 $0xFFFFFC00  }
0x14f: {  	_ =	sfence.sel $0x180000  }
0x150: {  	[bflag:$0x0] =	sbarrier.arrive $0xFFFF  }
0x151: {  	p0 =	sne.s32 s1, $0x0;
	_ =	strace $0x90000047  }
0x152: {  	s0 =	sadd.s32 @!p0 $0x100000, s0;
	[bflag:$0x2] =	sbarrier.arrive $0xFFFF  }
0x153: {  	[sflag:s0] =	ssyncadd.tile.s32 @!p0 $0x1;
	_ =	shalt  }
.Lfunc_end2:
_tile_overlayer_lowered:
.L_overlay_start_2:
0x154: {  	(tag) =	ssettag $0x2  }
0x155: {  	s0 =	rddreg [dreg:$0x0];
	s2 =	stileid.u32  }
0x156: {  	s1 =	rddreg [dreg:$0x1];
	p0 =	sne.s32 s2, $0x0  }
0x157: {  	s3 =	rddreg [dreg:$0x2];
	[bflag:$0x3] =	sbarrier.arrive $0xFFFF;
	s2 =	simm.s32 @!p0 $0x1C03  }
0x158: {  	[timem:s3], [sflag:s2] =	dma.local @!p0 [hbm:s0], s1  }
0x159: {  	s0 =	simm.s32 @!p0 $0x3  }
0x15a: {  	_ =	swait.ge @!p0 [sflag:s0], s1  }
0x15b: {  	s1 =	ssub.s32 @!p0 $0x0, s1;
	[sflag:s0] =	ssyncset.done @!p0 $0x0  }
0x15c: {  	[sflag:s0] =	ssyncadd.s32 @!p0 s1  }
0x15d: {  	[bflag:$0x3] =	sbarrier.arrive $0xFFFF  }
0x15e: {  	_ =	shalt  }

</sc_bundles>
